<compile_context>
chip_gen: v7x
topology: tpu7x:2x2x1
jax: 0.10.2.dev20260603
libtpu: 0.0.44.dev20260713+nightly
codegen_flags: <defaults>
</compile_context>

<pallas_src>
import functools

import jax
import jax.numpy as jnp
from jax import lax
from jax.experimental import pallas as pl
from jax.experimental.pallas import tpu as pltpu
from jax.experimental.pallas import tpu_sc as plsc

NUM_EMB = 1000000
NUM_TOKENS = 16384
EMBED_DIM = 32
NUM_TAGS = 32

_info = plsc.get_sparse_core_info()
_NC, _NS = _info.num_cores, _info.num_subcores
_NW = _NC * _NS
_BPW = NUM_TOKENS // _NW

_TNP = 2048
_VB = 4 * _TNP
_NBLK = (NUM_EMB + _VB - 1) // _VB
_PROWS = _NBLK * _TNP


def _ts_body(w_ref, b_ref, tT_ref, o_ref):
  for g in range(4):
    o_ref[:, 32 * g:32 * (g + 1)] = (
        lax.dot_general(tT_ref[:, _TNP * g:_TNP * (g + 1)], w_ref[...],
                        (((0,), (1,)), ((), ())),
                        preferred_element_type=jnp.float32)
        + b_ref[...])


def _score_table(W, b2d, tableT):
  return pl.pallas_call(
      _ts_body,
      grid=(_NBLK,),
      in_specs=[
          pl.BlockSpec((NUM_TAGS, EMBED_DIM), lambda i: (0, 0)),
          pl.BlockSpec((1, NUM_TAGS), lambda i: (0, 0)),
          pl.BlockSpec((EMBED_DIM, _VB), lambda i: (0, i)),
      ],
      out_specs=pl.BlockSpec((_TNP, 128), lambda i: (i, 0)),
      out_shape=jax.ShapeDtypeStruct((_PROWS, 128), jnp.float32),
  )(W, b2d, tableT)


def _make_gather():
  mesh = plsc.VectorSubcoreMesh(core_axis_name="c", subcore_axis_name="s")

  @functools.partial(
      pl.kernel,
      mesh=mesh,
      compiler_params=pltpu.CompilerParams(use_tc_tiling_on_sc=False),
      out_type=jax.ShapeDtypeStruct((NUM_TOKENS * EMBED_DIM,), jnp.float32),
      scratch_types=[
          pltpu.VMEM((_BPW,), jnp.int32),
          pltpu.VMEM((_BPW,), jnp.int32),
          pltpu.VMEM((_BPW * 32,), jnp.float32),
          pltpu.SemaphoreType.DMA,
      ],
  )
  def gather_k(idx_hbm, pk_hbm, out_hbm, idx_v, off_v, outb_v, sem):
    wid = lax.axis_index("s") * _NC + lax.axis_index("c")
    base = wid * _BPW
    pltpu.sync_copy(idx_hbm.at[pl.ds(base, _BPW)], idx_v)

    def amath(g, carry):
      r = idx_v[pl.ds(g * 16, 16)]
      prow = jnp.bitwise_or(
          jnp.left_shift(jnp.right_shift(r, 13), 11),
          jnp.bitwise_and(r, 2047))
      loff = 32 * jnp.bitwise_and(jnp.right_shift(r, 11), 3)
      idx_v[pl.ds(g * 16, 16)] = prow
      off_v[pl.ds(g * 16, 16)] = loff
      return carry

    lax.fori_loop(0, _BPW // 16, amath, 0)

    def fire(g, carry):
      pv = idx_v[pl.ds(g * 16, 16)]
      ov = off_v[pl.ds(g * 16, 16)]
      for j in range(16):
        t = g * 16 + j
        p = lax.squeeze(lax.slice(pv, (j,), (j + 1,)), (0,))
        o = pl.multiple_of(
            lax.squeeze(lax.slice(ov, (j,), (j + 1,)), (0,)), EMBED_DIM)
        pltpu.async_copy(
            pk_hbm.at[p, pl.ds(o, EMBED_DIM)],
            outb_v.at[pl.ds(t * EMBED_DIM, EMBED_DIM)], sem)
      return carry

    lax.fori_loop(0, _BPW // 16, fire, 0)

    def drain(g, carry):
      for j in range(16):
        t = g * 16 + j
        pltpu.make_async_copy(
            pk_hbm.at[0, pl.ds(0, EMBED_DIM)],
            outb_v.at[pl.ds(t * EMBED_DIM, EMBED_DIM)], sem).wait()
      return carry

    lax.fori_loop(0, _BPW // 16, drain, 0)
    pltpu.sync_copy(
        outb_v, out_hbm.at[pl.ds(base * EMBED_DIM, _BPW * EMBED_DIM)])

  return gather_k


_gather = _make_gather()


def kernel(sent, emb_table, W, b):
  tableT = jnp.swapaxes(emb_table, 0, 1)
  scores_pk = _score_table(W, b.reshape(1, NUM_TAGS), tableT)
  flat = _gather(sent, scores_pk)
  return flat.reshape(NUM_TOKENS, NUM_TAGS)

# --- scband reference (transcript-rebuilt; emitter-appended) ---
"""Pipeline reference for scband-pos-tagger-44281112822505 (READ-ONLY COPY).

The authoritative reference and input builder live on the scoring server;
editing this copy changes nothing except your own understanding.
"""

import jax, jax.numpy as jnp
import numpy as np

NUM_EMBEDDINGS = 1000000
EMBED_DIM = 32
NUM_TAGS = 32
NUM_TOKENS = 16384

def setup_inputs(seed: int = 0) -> dict:
    key = jax.random.key(seed)
    k_idx, k_emb, k_w, k_b = jax.random.split(key, 4)
    sent = jax.random.randint(k_idx, (NUM_TOKENS,), 0, NUM_EMBEDDINGS, dtype=jnp.int64 if jax.config.jax_enable_x64 else jnp.int32).astype(jnp.int32)
    emb_table = jax.random.normal(k_emb, (NUM_EMBEDDINGS, EMBED_DIM), dtype=jnp.float32) * 0.02
    # nn.Linear(EMBED_DIM, NUM_TAGS): weight [NUM_TAGS, EMBED_DIM], bias [NUM_TAGS]
    lim = 1.0 / np.sqrt(EMBED_DIM)
    W = jax.random.uniform(k_w, (NUM_TAGS, EMBED_DIM), minval=-lim, maxval=lim, dtype=jnp.float32)
    b = jax.random.uniform(k_b, (NUM_TAGS,), minval=-lim, maxval=lim, dtype=jnp.float32)
    return {"sent": sent, "emb_table": emb_table, "W": W, "b": b}

def reference(sent, emb_table, W, b):
    # AtomicEmbedder.forwards: per-word atomic embedding lookup
    embs = jnp.take(emb_table, sent, axis=0)  # [N, EMBED_DIM]
    # linear_layer scoring (Sigmoid normalizer is defined but unused in forward)
    scores = embs @ W.T + b  # [N, NUM_TAGS]
    return scores

if __name__ == "__main__":
    import jax
    _d = setup_inputs()
    print(jax.jit(kernel)(*tuple(_d.values())))

</pallas_src>

<mosaic_0001>
#map = affine_map<(d0, d1) -> (0)>
#map1 = affine_map<(d0, d1) -> (0, 0)>
module attributes {stable_mosaic.version = 14 : i64} {
  func.func @gather_k(%arg0: i32, %arg1: i32, %arg2: memref<16384xi32, #tpu.memory_space<hbm>>, %arg3: memref<251904x128xf32, #tpu.memory_space<hbm>>, %arg4: memref<524288xf32, #tpu.memory_space<hbm>>, %arg5: memref<512xi32, #tpu.memory_space<vmem>>, %arg6: memref<512xi32, #tpu.memory_space<vmem>>, %arg7: memref<16384xf32, #tpu.memory_space<vmem>>, %arg8: memref<!tpu.dma_semaphore, #tpu.memory_space<semaphore_mem>>) attributes {dimension_semantics = [#tpu.dimension_semantics<core_parallel>, #tpu.dimension_semantics<subcore_parallel>], iteration_bounds = array<i64: 2, 16>, scalar_prefetch = 0 : i64, scratch_operands = 4 : i64, tpu.core_type = #tpu.core_type<sc_vector_subcore>, window_params = [{transform_indices = #map}, {transform_indices = #map1}, {transform_indices = #map}]} {
    %mul3A = arith.constant 2 : i32
    %mul3A_0 = arith.muli %arg1, %mul3A : i32
    %add3A = arith.addi %mul3A_0, %arg0 : i32
    %mul3A_1 = arith.constant 512 : i32
    %mul3A_2 = arith.muli %add3A, %mul3A_1 : i32
    "tpu.region"() ({
      %run_scoped3A = tpu.sem_alloc : memref<!tpu.dma_semaphore, #tpu.memory_space<semaphore_mem>>
      %dma_start3A = tpu.memref_slice %arg2[%mul3A_2] : memref<16384xi32, #tpu.memory_space<hbm>> -> memref<512xi32, #tpu.memory_space<hbm>>
      %dma_start3A_22 = tpu.memref_slice %arg2[%mul3A_2] : memref<16384xi32, #tpu.memory_space<hbm>> -> memref<512xi32, #tpu.memory_space<hbm>>
      tpu.enqueue_dma source(%dma_start3A_22 : memref<512xi32, #tpu.memory_space<hbm>>) target(%arg5 : memref<512xi32, #tpu.memory_space<vmem>>) target_semaphore(%run_scoped3A : memref<!tpu.dma_semaphore, #tpu.memory_space<semaphore_mem>>)
      %dma_wait3A = tpu.memref_slice %arg2[%mul3A_2] : memref<16384xi32, #tpu.memory_space<hbm>> -> memref<512xi32, #tpu.memory_space<hbm>>
      %dma_wait3A_23 = tpu.memref_slice %arg2[%mul3A_2] : memref<16384xi32, #tpu.memory_space<hbm>> -> memref<512xi32, #tpu.memory_space<hbm>>
      tpu.wait_dma2 semaphore(%run_scoped3A : memref<!tpu.dma_semaphore, #tpu.memory_space<semaphore_mem>>) src(%dma_wait3A_23 : memref<512xi32, #tpu.memory_space<hbm>>) dst(%arg5 : memref<512xi32, #tpu.memory_space<vmem>>)
      tpu.yield
    }) : () -> ()
    %scan3A = arith.constant 0 : i32
    %scan3A_3 = arith.constant 0 : i32
    %scan3A_4 = arith.constant 32 : i32
    %scan3A_5 = arith.addi %scan3A_3, %scan3A_4 : i32
    %scan3A_6 = arith.constant 1 : i32
    scf.for %scan3A_22 = %scan3A_3 to %scan3A_5 step %scan3A_6  : i32 {
      %mul3A_23 = arith.constant 16 : i32
      %mul3A_24 = arith.muli %scan3A_22, %mul3A_23 : i32
      %get3A = arith.index_cast %mul3A_24 : i32 to index
      %get3A_25 = tpu.vector_load %arg5[%get3A] {strides = array<i32>} : memref<512xi32, #tpu.memory_space<vmem>>, vector<16xi32>,
      %get3A_26 = vector.shape_cast %get3A_25 : vector<16xi32> to vector<16xi32>
      %shift_right_arithmetic3A = arith.constant 13 : i32
      %shift_right_arithmetic3A_27 = vector.broadcast %shift_right_arithmetic3A : i32 to vector<16xi32>
      %shift_right_arithmetic3A_28 = arith.shrsi %get3A_26, %shift_right_arithmetic3A_27 : vector<16xi32>
      %shift_left3A = arith.constant 11 : i32
      %shift_left3A_29 = vector.broadcast %shift_left3A : i32 to vector<16xi32>
      %shift_left3A_30 = arith.shli %shift_right_arithmetic3A_28, %shift_left3A_29 : vector<16xi32>
      %and3A = arith.constant 2047 : i32
      %and3A_31 = vector.broadcast %and3A : i32 to vector<16xi32>
      %and3A_32 = arith.andi %get3A_26, %and3A_31 : vector<16xi32>
      %or3A = arith.ori %shift_left3A_30, %and3A_32 : vector<16xi32>
      %shift_right_arithmetic3A_33 = arith.constant 11 : i32
      %shift_right_arithmetic3A_34 = vector.broadcast %shift_right_arithmetic3A_33 : i32 to vector<16xi32>
      %shift_right_arithmetic3A_35 = arith.shrsi %get3A_26, %shift_right_arithmetic3A_34 : vector<16xi32>
      %and3A_36 = arith.constant 3 : i32
      %and3A_37 = vector.broadcast %and3A_36 : i32 to vector<16xi32>
      %and3A_38 = arith.andi %shift_right_arithmetic3A_35, %and3A_37 : vector<16xi32>
      %mul3A_39 = arith.constant 32 : i32
      %mul3A_40 = vector.broadcast %mul3A_39 : i32 to vector<16xi32>
      %mul3A_41 = arith.muli %mul3A_40, %and3A_38 : vector<16xi32>
      %mul3A_42 = arith.constant 16 : i32
      %mul3A_43 = arith.muli %scan3A_22, %mul3A_42 : i32
      %swap3A = arith.index_cast %mul3A_43 : i32 to index
      %swap3A_44 = tpu.vector_load %arg5[%swap3A] {strides = array<i32>} : memref<512xi32, #tpu.memory_space<vmem>>, vector<16xi32>,
      %swap3A_45 = vector.shape_cast %swap3A_44 : vector<16xi32> to vector<16xi32>
      %swap3A_46 = vector.shape_cast %or3A : vector<16xi32> to vector<16xi32>
      tpu.vector_store %arg5[%swap3A], %swap3A_46 {strides = array<i32>} : memref<512xi32, #tpu.memory_space<vmem>>, vector<16xi32>,
      %mul3A_47 = arith.constant 16 : i32
      %mul3A_48 = arith.muli %scan3A_22, %mul3A_47 : i32
      %swap3A_49 = arith.index_cast %mul3A_48 : i32 to index
      %swap3A_50 = tpu.vector_load %arg6[%swap3A_49] {strides = array<i32>} : memref<512xi32, #tpu.memory_space<vmem>>, vector<16xi32>,
      %swap3A_51 = vector.shape_cast %swap3A_50 : vector<16xi32> to vector<16xi32>
      %swap3A_52 = vector.shape_cast %mul3A_41 : vector<16xi32> to vector<16xi32>
      tpu.vector_store %arg6[%swap3A_49], %swap3A_52 {strides = array<i32>} : memref<512xi32, #tpu.memory_space<vmem>>, vector<16xi32>,
    }
    %scan3A_7 = arith.constant 32 : i32
    %scan3A_8 = arith.constant 0 : i32
    %scan3A_9 = arith.constant 0 : i32
    %scan3A_10 = arith.constant 32 : i32
    %scan3A_11 = arith.addi %scan3A_9, %scan3A_10 : i32
    %scan3A_12 = arith.constant 1 : i32
    scf.for %scan3A_22 = %scan3A_9 to %scan3A_11 step %scan3A_12  : i32 {
      %mul3A_23 = arith.constant 16 : i32
      %mul3A_24 = arith.muli %scan3A_22, %mul3A_23 : i32
      %get3A = arith.index_cast %mul3A_24 : i32 to index
      %get3A_25 = tpu.vector_load %arg5[%get3A] {strides = array<i32>} : memref<512xi32, #tpu.memory_space<vmem>>, vector<16xi32>,
      %get3A_26 = vector.shape_cast %get3A_25 : vector<16xi32> to vector<16xi32>
      %mul3A_27 = arith.constant 16 : i32
      %mul3A_28 = arith.muli %scan3A_22, %mul3A_27 : i32
      %get3A_29 = arith.index_cast %mul3A_28 : i32 to index
      %get3A_30 = tpu.vector_load %arg6[%get3A_29] {strides = array<i32>} : memref<512xi32, #tpu.memory_space<vmem>>, vector<16xi32>,
      %get3A_31 = vector.shape_cast %get3A_30 : vector<16xi32> to vector<16xi32>
      %mul3A_32 = arith.constant 16 : i32
      %mul3A_33 = arith.muli %scan3A_22, %mul3A_32 : i32
      %add3A_34 = arith.constant 0 : i32
      %add3A_35 = arith.addi %mul3A_33, %add3A_34 : i32
      %slice3A = vector.extract_strided_slice %get3A_26 {offsets = [0], sizes = [1], strides = [1]} : vector<16xi32> to vector<1xi32>
      %squeeze3A = vector.extract %slice3A[0] : i32 from vector<1xi32>
      %slice3A_36 = vector.extract_strided_slice %get3A_31 {offsets = [0], sizes = [1], strides = [1]} : vector<16xi32> to vector<1xi32>
      %squeeze3A_37 = vector.extract %slice3A_36[0] : i32 from vector<1xi32>
      %multiple_of3A = tpu.assume_multiple %squeeze3A_37, 32 : i32
      %mul3A_38 = arith.constant 32 : i32
      %mul3A_39 = arith.muli %add3A_35, %mul3A_38 : i32
      %dma_start3A = tpu.memref_slice %arg7[%mul3A_39] : memref<16384xf32, #tpu.memory_space<vmem>> -> memref<32xf32, #tpu.memory_space<vmem>>
      %dma_start3A_40 = tpu.memref_slice %arg3[%squeeze3A, %multiple_of3A] : memref<251904x128xf32, #tpu.memory_space<hbm>> -> memref<1x32xf32, #tpu.memory_space<hbm>>
      %dma_start3A_41 = tpu.memref_squeeze %dma_start3A_40 : memref<1x32xf32, #tpu.memory_space<hbm>> -> memref<32xf32, #tpu.memory_space<hbm>>
      %dma_start3A_42 = tpu.memref_slice %arg7[%mul3A_39] : memref<16384xf32, #tpu.memory_space<vmem>> -> memref<32xf32, #tpu.memory_space<vmem>>
      %dma_start3A_43 = tpu.memref_slice %arg3[%squeeze3A, %multiple_of3A] : memref<251904x128xf32, #tpu.memory_space<hbm>> -> memref<1x32xf32, #tpu.memory_space<hbm>>
      %dma_start3A_44 = tpu.memref_squeeze %dma_start3A_43 : memref<1x32xf32, #tpu.memory_space<hbm>> -> memref<32xf32, #tpu.memory_space<hbm>>
      tpu.enqueue_dma source(%dma_start3A_44 : memref<32xf32, #tpu.memory_space<hbm>>) target(%dma_start3A_42 : memref<32xf32, #tpu.memory_space<vmem>>) target_semaphore(%arg8 : memref<!tpu.dma_semaphore, #tpu.memory_space<semaphore_mem>>)
      %mul3A_45 = arith.constant 16 : i32
      %mul3A_46 = arith.muli %scan3A_22, %mul3A_45 : i32
      %add3A_47 = arith.constant 1 : i32
      %add3A_48 = arith.addi %mul3A_46, %add3A_47 : i32
      %slice3A_49 = vector.extract_strided_slice %get3A_26 {offsets = [1], sizes = [1], strides = [1]} : vector<16xi32> to vector<1xi32>
      %squeeze3A_50 = vector.extract %slice3A_49[0] : i32 from vector<1xi32>
      %slice3A_51 = vector.extract_strided_slice %get3A_31 {offsets = [1], sizes = [1], strides = [1]} : vector<16xi32> to vector<1xi32>
      %squeeze3A_52 = vector.extract %slice3A_51[0] : i32 from vector<1xi32>
      %multiple_of3A_53 = tpu.assume_multiple %squeeze3A_52, 32 : i32
      %mul3A_54 = arith.constant 32 : i32
      %mul3A_55 = arith.muli %add3A_48, %mul3A_54 : i32
      %dma_start3A_56 = tpu.memref_slice %arg7[%mul3A_55] : memref<16384xf32, #tpu.memory_space<vmem>> -> memref<32xf32, #tpu.memory_space<vmem>>
      %dma_start3A_57 = tpu.memref_slice %arg3[%squeeze3A_50, %multiple_of3A_53] : memref<251904x128xf32, #tpu.memory_space<hbm>> -> memref<1x32xf32, #tpu.memory_space<hbm>>
      %dma_start3A_58 = tpu.memref_squeeze %dma_start3A_57 : memref<1x32xf32, #tpu.memory_space<hbm>> -> memref<32xf32, #tpu.memory_space<hbm>>
      %dma_start3A_59 = tpu.memref_slice %arg7[%mul3A_55] : memref<16384xf32, #tpu.memory_space<vmem>> -> memref<32xf32, #tpu.memory_space<vmem>>
      %dma_start3A_60 = tpu.memref_slice %arg3[%squeeze3A_50, %multiple_of3A_53] : memref<251904x128xf32, #tpu.memory_space<hbm>> -> memref<1x32xf32, #tpu.memory_space<hbm>>
      %dma_start3A_61 = tpu.memref_squeeze %dma_start3A_60 : memref<1x32xf32, #tpu.memory_space<hbm>> -> memref<32xf32, #tpu.memory_space<hbm>>
      tpu.enqueue_dma source(%dma_start3A_61 : memref<32xf32, #tpu.memory_space<hbm>>) target(%dma_start3A_59 : memref<32xf32, #tpu.memory_space<vmem>>) target_semaphore(%arg8 : memref<!tpu.dma_semaphore, #tpu.memory_space<semaphore_mem>>)
      %mul3A_62 = arith.constant 16 : i32
      %mul3A_63 = arith.muli %scan3A_22, %mul3A_62 : i32
      %add3A_64 = arith.constant 2 : i32
      %add3A_65 = arith.addi %mul3A_63, %add3A_64 : i32
      %slice3A_66 = vector.extract_strided_slice %get3A_26 {offsets = [2], sizes = [1], strides = [1]} : vector<16xi32> to vector<1xi32>
      %squeeze3A_67 = vector.extract %slice3A_66[0] : i32 from vector<1xi32>
      %slice3A_68 = vector.extract_strided_slice %get3A_31 {offsets = [2], sizes = [1], strides = [1]} : vector<16xi32> to vector<1xi32>
      %squeeze3A_69 = vector.extract %slice3A_68[0] : i32 from vector<1xi32>
      %multiple_of3A_70 = tpu.assume_multiple %squeeze3A_69, 32 : i32
      %mul3A_71 = arith.constant 32 : i32
      %mul3A_72 = arith.muli %add3A_65, %mul3A_71 : i32
      %dma_start3A_73 = tpu.memref_slice %arg7[%mul3A_72] : memref<16384xf32, #tpu.memory_space<vmem>> -> memref<32xf32, #tpu.memory_space<vmem>>
      %dma_start3A_74 = tpu.memref_slice %arg3[%squeeze3A_67, %multiple_of3A_70] : memref<251904x128xf32, #tpu.memory_space<hbm>> -> memref<1x32xf32, #tpu.memory_space<hbm>>
      %dma_start3A_75 = tpu.memref_squeeze %dma_start3A_74 : memref<1x32xf32, #tpu.memory_space<hbm>> -> memref<32xf32, #tpu.memory_space<hbm>>
      %dma_start3A_76 = tpu.memref_slice %arg7[%mul3A_72] : memref<16384xf32, #tpu.memory_space<vmem>> -> memref<32xf32, #tpu.memory_space<vmem>>
      %dma_start3A_77 = tpu.memref_slice %arg3[%squeeze3A_67, %multiple_of3A_70] : memref<251904x128xf32, #tpu.memory_space<hbm>> -> memref<1x32xf32, #tpu.memory_space<hbm>>
      %dma_start3A_78 = tpu.memref_squeeze %dma_start3A_77 : memref<1x32xf32, #tpu.memory_space<hbm>> -> memref<32xf32, #tpu.memory_space<hbm>>
      tpu.enqueue_dma source(%dma_start3A_78 : memref<32xf32, #tpu.memory_space<hbm>>) target(%dma_start3A_76 : memref<32xf32, #tpu.memory_space<vmem>>) target_semaphore(%arg8 : memref<!tpu.dma_semaphore, #tpu.memory_space<semaphore_mem>>)
      %mul3A_79 = arith.constant 16 : i32
      %mul3A_80 = arith.muli %scan3A_22, %mul3A_79 : i32
      %add3A_81 = arith.constant 3 : i32
      %add3A_82 = arith.addi %mul3A_80, %add3A_81 : i32
      %slice3A_83 = vector.extract_strided_slice %get3A_26 {offsets = [3], sizes = [1], strides = [1]} : vector<16xi32> to vector<1xi32>
      %squeeze3A_84 = vector.extract %slice3A_83[0] : i32 from vector<1xi32>
      %slice3A_85 = vector.extract_strided_slice %get3A_31 {offsets = [3], sizes = [1], strides = [1]} : vector<16xi32> to vector<1xi32>
      %squeeze3A_86 = vector.extract %slice3A_85[0] : i32 from vector<1xi32>
      %multiple_of3A_87 = tpu.assume_multiple %squeeze3A_86, 32 : i32
      %mul3A_88 = arith.constant 32 : i32
      %mul3A_89 = arith.muli %add3A_82, %mul3A_88 : i32
      %dma_start3A_90 = tpu.memref_slice %arg7[%mul3A_89] : memref<16384xf32, #tpu.memory_space<vmem>> -> memref<32xf32, #tpu.memory_space<vmem>>
      %dma_start3A_91 = tpu.memref_slice %arg3[%squeeze3A_84, %multiple_of3A_87] : memref<251904x128xf32, #tpu.memory_space<hbm>> -> memref<1x32xf32, #tpu.memory_space<hbm>>
      %dma_start3A_92 = tpu.memref_squeeze %dma_start3A_91 : memref<1x32xf32, #tpu.memory_space<hbm>> -> memref<32xf32, #tpu.memory_space<hbm>>
      %dma_start3A_93 = tpu.memref_slice %arg7[%mul3A_89] : memref<16384xf32, #tpu.memory_space<vmem>> -> memref<32xf32, #tpu.memory_space<vmem>>
      %dma_start3A_94 = tpu.memref_slice %arg3[%squeeze3A_84, %multiple_of3A_87] : memref<251904x128xf32, #tpu.memory_space<hbm>> -> memref<1x32xf32, #tpu.memory_space<hbm>>
      %dma_start3A_95 = tpu.memref_squeeze %dma_start3A_94 : memref<1x32xf32, #tpu.memory_space<hbm>> -> memref<32xf32, #tpu.memory_space<hbm>>
      tpu.enqueue_dma source(%dma_start3A_95 : memref<32xf32, #tpu.memory_space<hbm>>) target(%dma_start3A_93 : memref<32xf32, #tpu.memory_space<vmem>>) target_semaphore(%arg8 : memref<!tpu.dma_semaphore, #tpu.memory_space<semaphore_mem>>)
      %mul3A_96 = arith.constant 16 : i32
      %mul3A_97 = arith.muli %scan3A_22, %mul3A_96 : i32
      %add3A_98 = arith.constant 4 : i32
      %add3A_99 = arith.addi %mul3A_97, %add3A_98 : i32
      %slice3A_100 = vector.extract_strided_slice %get3A_26 {offsets = [4], sizes = [1], strides = [1]} : vector<16xi32> to vector<1xi32>
      %squeeze3A_101 = vector.extract %slice3A_100[0] : i32 from vector<1xi32>
      %slice3A_102 = vector.extract_strided_slice %get3A_31 {offsets = [4], sizes = [1], strides = [1]} : vector<16xi32> to vector<1xi32>
      %squeeze3A_103 = vector.extract %slice3A_102[0] : i32 from vector<1xi32>
      %multiple_of3A_104 = tpu.assume_multiple %squeeze3A_103, 32 : i32
      %mul3A_105 = arith.constant 32 : i32
      %mul3A_106 = arith.muli %add3A_99, %mul3A_105 : i32
      %dma_start3A_107 = tpu.memref_slice %arg7[%mul3A_106] : memref<16384xf32, #tpu.memory_space<vmem>> -> memref<32xf32, #tpu.memory_space<vmem>>
      %dma_start3A_108 = tpu.memref_slice %arg3[%squeeze3A_101, %multiple_of3A_104] : memref<251904x128xf32, #tpu.memory_space<hbm>> -> memref<1x32xf32, #tpu.memory_space<hbm>>
      %dma_start3A_109 = tpu.memref_squeeze %dma_start3A_108 : memref<1x32xf32, #tpu.memory_space<hbm>> -> memref<32xf32, #tpu.memory_space<hbm>>
      %dma_start3A_110 = tpu.memref_slice %arg7[%mul3A_106] : memref<16384xf32, #tpu.memory_space<vmem>> -> memref<32xf32, #tpu.memory_space<vmem>>
      %dma_start3A_111 = tpu.memref_slice %arg3[%squeeze3A_101, %multiple_of3A_104] : memref<251904x128xf32, #tpu.memory_space<hbm>> -> memref<1x32xf32, #tpu.memory_space<hbm>>
      %dma_start3A_112 = tpu.memref_squeeze %dma_start3A_111 : memref<1x32xf32, #tpu.memory_space<hbm>> -> memref<32xf32, #tpu.memory_space<hbm>>
      tpu.enqueue_dma source(%dma_start3A_112 : memref<32xf32, #tpu.memory_space<hbm>>) target(%dma_start3A_110 : memref<32xf32, #tpu.memory_space<vmem>>) target_semaphore(%arg8 : memref<!tpu.dma_semaphore, #tpu.memory_space<semaphore_mem>>)
      %mul3A_113 = arith.constant 16 : i32
      %mul3A_114 = arith.muli %scan3A_22, %mul3A_113 : i32
      %add3A_115 = arith.constant 5 : i32
      %add3A_116 = arith.addi %mul3A_114, %add3A_115 : i32
      %slice3A_117 = vector.extract_strided_slice %get3A_26 {offsets = [5], sizes = [1], strides = [1]} : vector<16xi32> to vector<1xi32>
      %squeeze3A_118 = vector.extract %slice3A_117[0] : i32 from vector<1xi32>
      %slice3A_119 = vector.extract_strided_slice %get3A_31 {offsets = [5], sizes = [1], strides = [1]} : vector<16xi32> to vector<1xi32>
      %squeeze3A_120 = vector.extract %slice3A_119[0] : i32 from vector<1xi32>
      %multiple_of3A_121 = tpu.assume_multiple %squeeze3A_120, 32 : i32
      %mul3A_122 = arith.constant 32 : i32
      %mul3A_123 = arith.muli %add3A_116, %mul3A_122 : i32
      %dma_start3A_124 = tpu.memref_slice %arg7[%mul3A_123] : memref<16384xf32, #tpu.memory_space<vmem>> -> memref<32xf32, #tpu.memory_space<vmem>>
      %dma_start3A_125 = tpu.memref_slice %arg3[%squeeze3A_118, %multiple_of3A_121] : memref<251904x128xf32, #tpu.memory_space<hbm>> -> memref<1x32xf32, #tpu.memory_space<hbm>>
      %dma_start3A_126 = tpu.memref_squeeze %dma_start3A_125 : memref<1x32xf32, #tpu.memory_space<hbm>> -> memref<32xf32, #tpu.memory_space<hbm>>
      %dma_start3A_127 = tpu.memref_slice %arg7[%mul3A_123] : memref<16384xf32, #tpu.memory_space<vmem>> -> memref<32xf32, #tpu.memory_space<vmem>>
      %dma_start3A_128 = tpu.memref_slice %arg3[%squeeze3A_118, %multiple_of3A_121] : memref<251904x128xf32, #tpu.memory_space<hbm>> -> memref<1x32xf32, #tpu.memory_space<hbm>>
      %dma_start3A_129 = tpu.memref_squeeze %dma_start3A_128 : memref<1x32xf32, #tpu.memory_space<hbm>> -> memref<32xf32, #tpu.memory_space<hbm>>
      tpu.enqueue_dma source(%dma_start3A_129 : memref<32xf32, #tpu.memory_space<hbm>>) target(%dma_start3A_127 : memref<32xf32, #tpu.memory_space<vmem>>) target_semaphore(%arg8 : memref<!tpu.dma_semaphore, #tpu.memory_space<semaphore_mem>>)
      %mul3A_130 = arith.constant 16 : i32
      %mul3A_131 = arith.muli %scan3A_22, %mul3A_130 : i32
      %add3A_132 = arith.constant 6 : i32
      %add3A_133 = arith.addi %mul3A_131, %add3A_132 : i32
      %slice3A_134 = vector.extract_strided_slice %get3A_26 {offsets = [6], sizes = [1], strides = [1]} : vector<16xi32> to vector<1xi32>
      %squeeze3A_135 = vector.extract %slice3A_134[0] : i32 from vector<1xi32>
      %slice3A_136 = vector.extract_strided_slice %get3A_31 {offsets = [6], sizes = [1], strides = [1]} : vector<16xi32> to vector<1xi32>
      %squeeze3A_137 = vector.extract %slice3A_136[0] : i32 from vector<1xi32>
      %multiple_of3A_138 = tpu.assume_multiple %squeeze3A_137, 32 : i32
      %mul3A_139 = arith.constant 32 : i32
      %mul3A_140 = arith.muli %add3A_133, %mul3A_139 : i32
      %dma_start3A_141 = tpu.memref_slice %arg7[%mul3A_140] : memref<16384xf32, #tpu.memory_space<vmem>> -> memref<32xf32, #tpu.memory_space<vmem>>
      %dma_start3A_142 = tpu.memref_slice %arg3[%squeeze3A_135, %multiple_of3A_138] : memref<251904x128xf32, #tpu.memory_space<hbm>> -> memref<1x32xf32, #tpu.memory_space<hbm>>
      %dma_start3A_143 = tpu.memref_squeeze %dma_start3A_142 : memref<1x32xf32, #tpu.memory_space<hbm>> -> memref<32xf32, #tpu.memory_space<hbm>>
      %dma_start3A_144 = tpu.memref_slice %arg7[%mul3A_140] : memref<16384xf32, #tpu.memory_space<vmem>> -> memref<32xf32, #tpu.memory_space<vmem>>
      %dma_start3A_145 = tpu.memref_slice %arg3[%squeeze3A_135, %multiple_of3A_138] : memref<251904x128xf32, #tpu.memory_space<hbm>> -> memref<1x32xf32, #tpu.memory_space<hbm>>
      %dma_start3A_146 = tpu.memref_squeeze %dma_start3A_145 : memref<1x32xf32, #tpu.memory_space<hbm>> -> memref<32xf32, #tpu.memory_space<hbm>>
      tpu.enqueue_dma source(%dma_start3A_146 : memref<32xf32, #tpu.memory_space<hbm>>) target(%dma_start3A_144 : memref<32xf32, #tpu.memory_space<vmem>>) target_semaphore(%arg8 : memref<!tpu.dma_semaphore, #tpu.memory_space<semaphore_mem>>)
      %mul3A_147 = arith.constant 16 : i32
      %mul3A_148 = arith.muli %scan3A_22, %mul3A_147 : i32
      %add3A_149 = arith.constant 7 : i32
      %add3A_150 = arith.addi %mul3A_148, %add3A_149 : i32
      %slice3A_151 = vector.extract_strided_slice %get3A_26 {offsets = [7], sizes = [1], strides = [1]} : vector<16xi32> to vector<1xi32>
      %squeeze3A_152 = vector.extract %slice3A_151[0] : i32 from vector<1xi32>
      %slice3A_153 = vector.extract_strided_slice %get3A_31 {offsets = [7], sizes = [1], strides = [1]} : vector<16xi32> to vector<1xi32>
      %squeeze3A_154 = vector.extract %slice3A_153[0] : i32 from vector<1xi32>
      %multiple_of3A_155 = tpu.assume_multiple %squeeze3A_154, 32 : i32
      %mul3A_156 = arith.constant 32 : i32
      %mul3A_157 = arith.muli %add3A_150, %mul3A_156 : i32
      %dma_start3A_158 = tpu.memref_slice %arg7[%mul3A_157] : memref<16384xf32, #tpu.memory_space<vmem>> -> memref<32xf32, #tpu.memory_space<vmem>>
      %dma_start3A_159 = tpu.memref_slice %arg3[%squeeze3A_152, %multiple_of3A_155] : memref<251904x128xf32, #tpu.memory_space<hbm>> -> memref<1x32xf32, #tpu.memory_space<hbm>>
      %dma_start3A_160 = tpu.memref_squeeze %dma_start3A_159 : memref<1x32xf32, #tpu.memory_space<hbm>> -> memref<32xf32, #tpu.memory_space<hbm>>
      %dma_start3A_161 = tpu.memref_slice %arg7[%mul3A_157] : memref<16384xf32, #tpu.memory_space<vmem>> -> memref<32xf32, #tpu.memory_space<vmem>>
      %dma_start3A_162 = tpu.memref_slice %arg3[%squeeze3A_152, %multiple_of3A_155] : memref<251904x128xf32, #tpu.memory_space<hbm>> -> memref<1x32xf32, #tpu.memory_space<hbm>>
      %dma_start3A_163 = tpu.memref_squeeze %dma_start3A_162 : memref<1x32xf32, #tpu.memory_space<hbm>> -> memref<32xf32, #tpu.memory_space<hbm>>
      tpu.enqueue_dma source(%dma_start3A_163 : memref<32xf32, #tpu.memory_space<hbm>>) target(%dma_start3A_161 : memref<32xf32, #tpu.memory_space<vmem>>) target_semaphore(%arg8 : memref<!tpu.dma_semaphore, #tpu.memory_space<semaphore_mem>>)
      %mul3A_164 = arith.constant 16 : i32
      %mul3A_165 = arith.muli %scan3A_22, %mul3A_164 : i32
      %add3A_166 = arith.constant 8 : i32
      %add3A_167 = arith.addi %mul3A_165, %add3A_166 : i32
      %slice3A_168 = vector.extract_strided_slice %get3A_26 {offsets = [8], sizes = [1], strides = [1]} : vector<16xi32> to vector<1xi32>
      %squeeze3A_169 = vector.extract %slice3A_168[0] : i32 from vector<1xi32>
      %slice3A_170 = vector.extract_strided_slice %get3A_31 {offsets = [8], sizes = [1], strides = [1]} : vector<16xi32> to vector<1xi32>
      %squeeze3A_171 = vector.extract %slice3A_170[0] : i32 from vector<1xi32>
      %multiple_of3A_172 = tpu.assume_multiple %squeeze3A_171, 32 : i32
      %mul3A_173 = arith.constant 32 : i32
      %mul3A_174 = arith.muli %add3A_167, %mul3A_173 : i32
      %dma_start3A_175 = tpu.memref_slice %arg7[%mul3A_174] : memref<16384xf32, #tpu.memory_space<vmem>> -> memref<32xf32, #tpu.memory_space<vmem>>
      %dma_start3A_176 = tpu.memref_slice %arg3[%squeeze3A_169, %multiple_of3A_172] : memref<251904x128xf32, #tpu.memory_space<hbm>> -> memref<1x32xf32, #tpu.memory_space<hbm>>
      %dma_start3A_177 = tpu.memref_squeeze %dma_start3A_176 : memref<1x32xf32, #tpu.memory_space<hbm>> -> memref<32xf32, #tpu.memory_space<hbm>>
      %dma_start3A_178 = tpu.memref_slice %arg7[%mul3A_174] : memref<16384xf32, #tpu.memory_space<vmem>> -> memref<32xf32, #tpu.memory_space<vmem>>
      %dma_start3A_179 = tpu.memref_slice %arg3[%squeeze3A_169, %multiple_of3A_172] : memref<251904x128xf32, #tpu.memory_space<hbm>> -> memref<1x32xf32, #tpu.memory_space<hbm>>
      %dma_start3A_180 = tpu.memref_squeeze %dma_start3A_179 : memref<1x32xf32, #tpu.memory_space<hbm>> -> memref<32xf32, #tpu.memory_space<hbm>>
      tpu.enqueue_dma source(%dma_start3A_180 : memref<32xf32, #tpu.memory_space<hbm>>) target(%dma_start3A_178 : memref<32xf32, #tpu.memory_space<vmem>>) target_semaphore(%arg8 : memref<!tpu.dma_semaphore, #tpu.memory_space<semaphore_mem>>)
      %mul3A_181 = arith.constant 16 : i32
      %mul3A_182 = arith.muli %scan3A_22, %mul3A_181 : i32
      %add3A_183 = arith.constant 9 : i32
      %add3A_184 = arith.addi %mul3A_182, %add3A_183 : i32
      %slice3A_185 = vector.extract_strided_slice %get3A_26 {offsets = [9], sizes = [1], strides = [1]} : vector<16xi32> to vector<1xi32>
      %squeeze3A_186 = vector.extract %slice3A_185[0] : i32 from vector<1xi32>
      %slice3A_187 = vector.extract_strided_slice %get3A_31 {offsets = [9], sizes = [1], strides = [1]} : vector<16xi32> to vector<1xi32>
      %squeeze3A_188 = vector.extract %slice3A_187[0] : i32 from vector<1xi32>
      %multiple_of3A_189 = tpu.assume_multiple %squeeze3A_188, 32 : i32
      %mul3A_190 = arith.constant 32 : i32
      %mul3A_191 = arith.muli %add3A_184, %mul3A_190 : i32
      %dma_start3A_192 = tpu.memref_slice %arg7[%mul3A_191] : memref<16384xf32, #tpu.memory_space<vmem>> -> memref<32xf32, #tpu.memory_space<vmem>>
      %dma_start3A_193 = tpu.memref_slice %arg3[%squeeze3A_186, %multiple_of3A_189] : memref<251904x128xf32, #tpu.memory_space<hbm>> -> memref<1x32xf32, #tpu.memory_space<hbm>>
      %dma_start3A_194 = tpu.memref_squeeze %dma_start3A_193 : memref<1x32xf32, #tpu.memory_space<hbm>> -> memref<32xf32, #tpu.memory_space<hbm>>
      %dma_start3A_195 = tpu.memref_slice %arg7[%mul3A_191] : memref<16384xf32, #tpu.memory_space<vmem>> -> memref<32xf32, #tpu.memory_space<vmem>>
      %dma_start3A_196 = tpu.memref_slice %arg3[%squeeze3A_186, %multiple_of3A_189] : memref<251904x128xf32, #tpu.memory_space<hbm>> -> memref<1x32xf32, #tpu.memory_space<hbm>>
      %dma_start3A_197 = tpu.memref_squeeze %dma_start3A_196 : memref<1x32xf32, #tpu.memory_space<hbm>> -> memref<32xf32, #tpu.memory_space<hbm>>
      tpu.enqueue_dma source(%dma_start3A_197 : memref<32xf32, #tpu.memory_space<hbm>>) target(%dma_start3A_195 : memref<32xf32, #tpu.memory_space<vmem>>) target_semaphore(%arg8 : memref<!tpu.dma_semaphore, #tpu.memory_space<semaphore_mem>>)
      %mul3A_198 = arith.constant 16 : i32
      %mul3A_199 = arith.muli %scan3A_22, %mul3A_198 : i32
      %add3A_200 = arith.constant 10 : i32
      %add3A_201 = arith.addi %mul3A_199, %add3A_200 : i32
      %slice3A_202 = vector.extract_strided_slice %get3A_26 {offsets = [10], sizes = [1], strides = [1]} : vector<16xi32> to vector<1xi32>
      %squeeze3A_203 = vector.extract %slice3A_202[0] : i32 from vector<1xi32>
      %slice3A_204 = vector.extract_strided_slice %get3A_31 {offsets = [10], sizes = [1], strides = [1]} : vector<16xi32> to vector<1xi32>
      %squeeze3A_205 = vector.extract %slice3A_204[0] : i32 from vector<1xi32>
      %multiple_of3A_206 = tpu.assume_multiple %squeeze3A_205, 32 : i32
      %mul3A_207 = arith.constant 32 : i32
      %mul3A_208 = arith.muli %add3A_201, %mul3A_207 : i32
      %dma_start3A_209 = tpu.memref_slice %arg7[%mul3A_208] : memref<16384xf32, #tpu.memory_space<vmem>> -> memref<32xf32, #tpu.memory_space<vmem>>
      %dma_start3A_210 = tpu.memref_slice %arg3[%squeeze3A_203, %multiple_of3A_206] : memref<251904x128xf32, #tpu.memory_space<hbm>> -> memref<1x32xf32, #tpu.memory_space<hbm>>
      %dma_start3A_211 = tpu.memref_squeeze %dma_start3A_210 : memref<1x32xf32, #tpu.memory_space<hbm>> -> memref<32xf32, #tpu.memory_space<hbm>>
      %dma_start3A_212 = tpu.memref_slice %arg7[%mul3A_208] : memref<16384xf32, #tpu.memory_space<vmem>> -> memref<32xf32, #tpu.memory_space<vmem>>
      %dma_start3A_213 = tpu.memref_slice %arg3[%squeeze3A_203, %multiple_of3A_206] : memref<251904x128xf32, #tpu.memory_space<hbm>> -> memref<1x32xf32, #tpu.memory_space<hbm>>
      %dma_start3A_214 = tpu.memref_squeeze %dma_start3A_213 : memref<1x32xf32, #tpu.memory_space<hbm>> -> memref<32xf32, #tpu.memory_space<hbm>>
      tpu.enqueue_dma source(%dma_start3A_214 : memref<32xf32, #tpu.memory_space<hbm>>) target(%dma_start3A_212 : memref<32xf32, #tpu.memory_space<vmem>>) target_semaphore(%arg8 : memref<!tpu.dma_semaphore, #tpu.memory_space<semaphore_mem>>)
      %mul3A_215 = arith.constant 16 : i32
      %mul3A_216 = arith.muli %scan3A_22, %mul3A_215 : i32
      %add3A_217 = arith.constant 11 : i32
      %add3A_218 = arith.addi %mul3A_216, %add3A_217 : i32
      %slice3A_219 = vector.extract_strided_slice %get3A_26 {offsets = [11], sizes = [1], strides = [1]} : vector<16xi32> to vector<1xi32>
      %squeeze3A_220 = vector.extract %slice3A_219[0] : i32 from vector<1xi32>
      %slice3A_221 = vector.extract_strided_slice %get3A_31 {offsets = [11], sizes = [1], strides = [1]} : vector<16xi32> to vector<1xi32>
      %squeeze3A_222 = vector.extract %slice3A_221[0] : i32 from vector<1xi32>
      %multiple_of3A_223 = tpu.assume_multiple %squeeze3A_222, 32 : i32
      %mul3A_224 = arith.constant 32 : i32
      %mul3A_225 = arith.muli %add3A_218, %mul3A_224 : i32
      %dma_start3A_226 = tpu.memref_slice %arg7[%mul3A_225] : memref<16384xf32, #tpu.memory_space<vmem>> -> memref<32xf32, #tpu.memory_space<vmem>>
      %dma_start3A_227 = tpu.memref_slice %arg3[%squeeze3A_220, %multiple_of3A_223] : memref<251904x128xf32, #tpu.memory_space<hbm>> -> memref<1x32xf32, #tpu.memory_space<hbm>>
      %dma_start3A_228 = tpu.memref_squeeze %dma_start3A_227 : memref<1x32xf32, #tpu.memory_space<hbm>> -> memref<32xf32, #tpu.memory_space<hbm>>
      %dma_start3A_229 = tpu.memref_slice %arg7[%mul3A_225] : memref<16384xf32, #tpu.memory_space<vmem>> -> memref<32xf32, #tpu.memory_space<vmem>>
      %dma_start3A_230 = tpu.memref_slice %arg3[%squeeze3A_220, %multiple_of3A_223] : memref<251904x128xf32, #tpu.memory_space<hbm>> -> memref<1x32xf32, #tpu.memory_space<hbm>>
      %dma_start3A_231 = tpu.memref_squeeze %dma_start3A_230 : memref<1x32xf32, #tpu.memory_space<hbm>> -> memref<32xf32, #tpu.memory_space<hbm>>
      tpu.enqueue_dma source(%dma_start3A_231 : memref<32xf32, #tpu.memory_space<hbm>>) target(%dma_start3A_229 : memref<32xf32, #tpu.memory_space<vmem>>) target_semaphore(%arg8 : memref<!tpu.dma_semaphore, #tpu.memory_space<semaphore_mem>>)
      %mul3A_232 = arith.constant 16 : i32
      %mul3A_233 = arith.muli %scan3A_22, %mul3A_232 : i32
      %add3A_234 = arith.constant 12 : i32
      %add3A_235 = arith.addi %mul3A_233, %add3A_234 : i32
      %slice3A_236 = vector.extract_strided_slice %get3A_26 {offsets = [12], sizes = [1], strides = [1]} : vector<16xi32> to vector<1xi32>
      %squeeze3A_237 = vector.extract %slice3A_236[0] : i32 from vector<1xi32>
      %slice3A_238 = vector.extract_strided_slice %get3A_31 {offsets = [12], sizes = [1], strides = [1]} : vector<16xi32> to vector<1xi32>
      %squeeze3A_239 = vector.extract %slice3A_238[0] : i32 from vector<1xi32>
      %multiple_of3A_240 = tpu.assume_multiple %squeeze3A_239, 32 : i32
      %mul3A_241 = arith.constant 32 : i32
      %mul3A_242 = arith.muli %add3A_235, %mul3A_241 : i32
      %dma_start3A_243 = tpu.memref_slice %arg7[%mul3A_242] : memref<16384xf32, #tpu.memory_space<vmem>> -> memref<32xf32, #tpu.memory_space<vmem>>
      %dma_start3A_244 = tpu.memref_slice %arg3[%squeeze3A_237, %multiple_of3A_240] : memref<251904x128xf32, #tpu.memory_space<hbm>> -> memref<1x32xf32, #tpu.memory_space<hbm>>
      %dma_start3A_245 = tpu.memref_squeeze %dma_start3A_244 : memref<1x32xf32, #tpu.memory_space<hbm>> -> memref<32xf32, #tpu.memory_space<hbm>>
      %dma_start3A_246 = tpu.memref_slice %arg7[%mul3A_242] : memref<16384xf32, #tpu.memory_space<vmem>> -> memref<32xf32, #tpu.memory_space<vmem>>
      %dma_start3A_247 = tpu.memref_slice %arg3[%squeeze3A_237, %multiple_of3A_240] : memref<251904x128xf32, #tpu.memory_space<hbm>> -> memref<1x32xf32, #tpu.memory_space<hbm>>
      %dma_start3A_248 = tpu.memref_squeeze %dma_start3A_247 : memref<1x32xf32, #tpu.memory_space<hbm>> -> memref<32xf32, #tpu.memory_space<hbm>>
      tpu.enqueue_dma source(%dma_start3A_248 : memref<32xf32, #tpu.memory_space<hbm>>) target(%dma_start3A_246 : memref<32xf32, #tpu.memory_space<vmem>>) target_semaphore(%arg8 : memref<!tpu.dma_semaphore, #tpu.memory_space<semaphore_mem>>)
      %mul3A_249 = arith.constant 16 : i32
      %mul3A_250 = arith.muli %scan3A_22, %mul3A_249 : i32
      %add3A_251 = arith.constant 13 : i32
      %add3A_252 = arith.addi %mul3A_250, %add3A_251 : i32
      %slice3A_253 = vector.extract_strided_slice %get3A_26 {offsets = [13], sizes = [1], strides = [1]} : vector<16xi32> to vector<1xi32>
      %squeeze3A_254 = vector.extract %slice3A_253[0] : i32 from vector<1xi32>
      %slice3A_255 = vector.extract_strided_slice %get3A_31 {offsets = [13], sizes = [1], strides = [1]} : vector<16xi32> to vector<1xi32>
      %squeeze3A_256 = vector.extract %slice3A_255[0] : i32 from vector<1xi32>
      %multiple_of3A_257 = tpu.assume_multiple %squeeze3A_256, 32 : i32
      %mul3A_258 = arith.constant 32 : i32
      %mul3A_259 = arith.muli %add3A_252, %mul3A_258 : i32
      %dma_start3A_260 = tpu.memref_slice %arg7[%mul3A_259] : memref<16384xf32, #tpu.memory_space<vmem>> -> memref<32xf32, #tpu.memory_space<vmem>>
      %dma_start3A_261 = tpu.memref_slice %arg3[%squeeze3A_254, %multiple_of3A_257] : memref<251904x128xf32, #tpu.memory_space<hbm>> -> memref<1x32xf32, #tpu.memory_space<hbm>>
      %dma_start3A_262 = tpu.memref_squeeze %dma_start3A_261 : memref<1x32xf32, #tpu.memory_space<hbm>> -> memref<32xf32, #tpu.memory_space<hbm>>
      %dma_start3A_263 = tpu.memref_slice %arg7[%mul3A_259] : memref<16384xf32, #tpu.memory_space<vmem>> -> memref<32xf32, #tpu.memory_space<vmem>>
      %dma_start3A_264 = tpu.memref_slice %arg3[%squeeze3A_254, %multiple_of3A_257] : memref<251904x128xf32, #tpu.memory_space<hbm>> -> memref<1x32xf32, #tpu.memory_space<hbm>>
      %dma_start3A_265 = tpu.memref_squeeze %dma_start3A_264 : memref<1x32xf32, #tpu.memory_space<hbm>> -> memref<32xf32, #tpu.memory_space<hbm>>
      tpu.enqueue_dma source(%dma_start3A_265 : memref<32xf32, #tpu.memory_space<hbm>>) target(%dma_start3A_263 : memref<32xf32, #tpu.memory_space<vmem>>) target_semaphore(%arg8 : memref<!tpu.dma_semaphore, #tpu.memory_space<semaphore_mem>>)
      %mul3A_266 = arith.constant 16 : i32
      %mul3A_267 = arith.muli %scan3A_22, %mul3A_266 : i32
      %add3A_268 = arith.constant 14 : i32
      %add3A_269 = arith.addi %mul3A_267, %add3A_268 : i32
      %slice3A_270 = vector.extract_strided_slice %get3A_26 {offsets = [14], sizes = [1], strides = [1]} : vector<16xi32> to vector<1xi32>
      %squeeze3A_271 = vector.extract %slice3A_270[0] : i32 from vector<1xi32>
      %slice3A_272 = vector.extract_strided_slice %get3A_31 {offsets = [14], sizes = [1], strides = [1]} : vector<16xi32> to vector<1xi32>
      %squeeze3A_273 = vector.extract %slice3A_272[0] : i32 from vector<1xi32>
      %multiple_of3A_274 = tpu.assume_multiple %squeeze3A_273, 32 : i32
      %mul3A_275 = arith.constant 32 : i32
      %mul3A_276 = arith.muli %add3A_269, %mul3A_275 : i32
      %dma_start3A_277 = tpu.memref_slice %arg7[%mul3A_276] : memref<16384xf32, #tpu.memory_space<vmem>> -> memref<32xf32, #tpu.memory_space<vmem>>
      %dma_start3A_278 = tpu.memref_slice %arg3[%squeeze3A_271, %multiple_of3A_274] : memref<251904x128xf32, #tpu.memory_space<hbm>> -> memref<1x32xf32, #tpu.memory_space<hbm>>
      %dma_start3A_279 = tpu.memref_squeeze %dma_start3A_278 : memref<1x32xf32, #tpu.memory_space<hbm>> -> memref<32xf32, #tpu.memory_space<hbm>>
      %dma_start3A_280 = tpu.memref_slice %arg7[%mul3A_276] : memref<16384xf32, #tpu.memory_space<vmem>> -> memref<32xf32, #tpu.memory_space<vmem>>
      %dma_start3A_281 = tpu.memref_slice %arg3[%squeeze3A_271, %multiple_of3A_274] : memref<251904x128xf32, #tpu.memory_space<hbm>> -> memref<1x32xf32, #tpu.memory_space<hbm>>
      %dma_start3A_282 = tpu.memref_squeeze %dma_start3A_281 : memref<1x32xf32, #tpu.memory_space<hbm>> -> memref<32xf32, #tpu.memory_space<hbm>>
      tpu.enqueue_dma source(%dma_start3A_282 : memref<32xf32, #tpu.memory_space<hbm>>) target(%dma_start3A_280 : memref<32xf32, #tpu.memory_space<vmem>>) target_semaphore(%arg8 : memref<!tpu.dma_semaphore, #tpu.memory_space<semaphore_mem>>)
      %mul3A_283 = arith.constant 16 : i32
      %mul3A_284 = arith.muli %scan3A_22, %mul3A_283 : i32
      %add3A_285 = arith.constant 15 : i32
      %add3A_286 = arith.addi %mul3A_284, %add3A_285 : i32
      %slice3A_287 = vector.extract_strided_slice %get3A_26 {offsets = [15], sizes = [1], strides = [1]} : vector<16xi32> to vector<1xi32>
      %squeeze3A_288 = vector.extract %slice3A_287[0] : i32 from vector<1xi32>
      %slice3A_289 = vector.extract_strided_slice %get3A_31 {offsets = [15], sizes = [1], strides = [1]} : vector<16xi32> to vector<1xi32>
      %squeeze3A_290 = vector.extract %slice3A_289[0] : i32 from vector<1xi32>
      %multiple_of3A_291 = tpu.assume_multiple %squeeze3A_290, 32 : i32
      %mul3A_292 = arith.constant 32 : i32
      %mul3A_293 = arith.muli %add3A_286, %mul3A_292 : i32
      %dma_start3A_294 = tpu.memref_slice %arg7[%mul3A_293] : memref<16384xf32, #tpu.memory_space<vmem>> -> memref<32xf32, #tpu.memory_space<vmem>>
      %dma_start3A_295 = tpu.memref_slice %arg3[%squeeze3A_288, %multiple_of3A_291] : memref<251904x128xf32, #tpu.memory_space<hbm>> -> memref<1x32xf32, #tpu.memory_space<hbm>>
      %dma_start3A_296 = tpu.memref_squeeze %dma_start3A_295 : memref<1x32xf32, #tpu.memory_space<hbm>> -> memref<32xf32, #tpu.memory_space<hbm>>
      %dma_start3A_297 = tpu.memref_slice %arg7[%mul3A_293] : memref<16384xf32, #tpu.memory_space<vmem>> -> memref<32xf32, #tpu.memory_space<vmem>>
      %dma_start3A_298 = tpu.memref_slice %arg3[%squeeze3A_288, %multiple_of3A_291] : memref<251904x128xf32, #tpu.memory_space<hbm>> -> memref<1x32xf32, #tpu.memory_space<hbm>>
      %dma_start3A_299 = tpu.memref_squeeze %dma_start3A_298 : memref<1x32xf32, #tpu.memory_space<hbm>> -> memref<32xf32, #tpu.memory_space<hbm>>
      tpu.enqueue_dma source(%dma_start3A_299 : memref<32xf32, #tpu.memory_space<hbm>>) target(%dma_start3A_297 : memref<32xf32, #tpu.memory_space<vmem>>) target_semaphore(%arg8 : memref<!tpu.dma_semaphore, #tpu.memory_space<semaphore_mem>>)
    }
    %scan3A_13 = arith.constant 32 : i32
    %scan3A_14 = arith.constant 0 : i32
    %scan3A_15 = arith.constant 0 : i32
    %scan3A_16 = arith.constant 32 : i32
    %scan3A_17 = arith.addi %scan3A_15, %scan3A_16 : i32
    %scan3A_18 = arith.constant 1 : i32
    scf.for %scan3A_22 = %scan3A_15 to %scan3A_17 step %scan3A_18  : i32 {
      %mul3A_23 = arith.constant 16 : i32
      %mul3A_24 = arith.muli %scan3A_22, %mul3A_23 : i32
      %add3A_25 = arith.constant 0 : i32
      %add3A_26 = arith.addi %mul3A_24, %add3A_25 : i32
      %mul3A_27 = arith.constant 32 : i32
      %mul3A_28 = arith.muli %add3A_26, %mul3A_27 : i32
      %dma_wait3A = arith.constant 0 : i32
      %dma_wait3A_29 = tpu.memref_slice %arg7[%mul3A_28] : memref<16384xf32, #tpu.memory_space<vmem>> -> memref<32xf32, #tpu.memory_space<vmem>>
      %dma_wait3A_30 = arith.constant 0 : i32
      %dma_wait3A_31 = tpu.memref_slice %arg3[%dma_wait3A, %dma_wait3A_30] : memref<251904x128xf32, #tpu.memory_space<hbm>> -> memref<1x32xf32, #tpu.memory_space<hbm>>
      %dma_wait3A_32 = tpu.memref_squeeze %dma_wait3A_31 : memref<1x32xf32, #tpu.memory_space<hbm>> -> memref<32xf32, #tpu.memory_space<hbm>>
      %dma_wait3A_33 = tpu.memref_slice %arg7[%mul3A_28] : memref<16384xf32, #tpu.memory_space<vmem>> -> memref<32xf32, #tpu.memory_space<vmem>>
      %dma_wait3A_34 = arith.constant 0 : i32
      %dma_wait3A_35 = tpu.memref_slice %arg3[%dma_wait3A, %dma_wait3A_34] : memref<251904x128xf32, #tpu.memory_space<hbm>> -> memref<1x32xf32, #tpu.memory_space<hbm>>
      %dma_wait3A_36 = tpu.memref_squeeze %dma_wait3A_35 : memref<1x32xf32, #tpu.memory_space<hbm>> -> memref<32xf32, #tpu.memory_space<hbm>>
      tpu.wait_dma2 semaphore(%arg8 : memref<!tpu.dma_semaphore, #tpu.memory_space<semaphore_mem>>) src(%dma_wait3A_36 : memref<32xf32, #tpu.memory_space<hbm>>) dst(%dma_wait3A_33 : memref<32xf32, #tpu.memory_space<vmem>>)
      %mul3A_37 = arith.constant 16 : i32
      %mul3A_38 = arith.muli %scan3A_22, %mul3A_37 : i32
      %add3A_39 = arith.constant 1 : i32
      %add3A_40 = arith.addi %mul3A_38, %add3A_39 : i32
      %mul3A_41 = arith.constant 32 : i32
      %mul3A_42 = arith.muli %add3A_40, %mul3A_41 : i32
      %dma_wait3A_43 = arith.constant 0 : i32
      %dma_wait3A_44 = tpu.memref_slice %arg7[%mul3A_42] : memref<16384xf32, #tpu.memory_space<vmem>> -> memref<32xf32, #tpu.memory_space<vmem>>
      %dma_wait3A_45 = arith.constant 0 : i32
      %dma_wait3A_46 = tpu.memref_slice %arg3[%dma_wait3A_43, %dma_wait3A_45] : memref<251904x128xf32, #tpu.memory_space<hbm>> -> memref<1x32xf32, #tpu.memory_space<hbm>>
      %dma_wait3A_47 = tpu.memref_squeeze %dma_wait3A_46 : memref<1x32xf32, #tpu.memory_space<hbm>> -> memref<32xf32, #tpu.memory_space<hbm>>
      %dma_wait3A_48 = tpu.memref_slice %arg7[%mul3A_42] : memref<16384xf32, #tpu.memory_space<vmem>> -> memref<32xf32, #tpu.memory_space<vmem>>
      %dma_wait3A_49 = arith.constant 0 : i32
      %dma_wait3A_50 = tpu.memref_slice %arg3[%dma_wait3A_43, %dma_wait3A_49] : memref<251904x128xf32, #tpu.memory_space<hbm>> -> memref<1x32xf32, #tpu.memory_space<hbm>>
      %dma_wait3A_51 = tpu.memref_squeeze %dma_wait3A_50 : memref<1x32xf32, #tpu.memory_space<hbm>> -> memref<32xf32, #tpu.memory_space<hbm>>
      tpu.wait_dma2 semaphore(%arg8 : memref<!tpu.dma_semaphore, #tpu.memory_space<semaphore_mem>>) src(%dma_wait3A_51 : memref<32xf32, #tpu.memory_space<hbm>>) dst(%dma_wait3A_48 : memref<32xf32, #tpu.memory_space<vmem>>)
      %mul3A_52 = arith.constant 16 : i32
      %mul3A_53 = arith.muli %scan3A_22, %mul3A_52 : i32
      %add3A_54 = arith.constant 2 : i32
      %add3A_55 = arith.addi %mul3A_53, %add3A_54 : i32
      %mul3A_56 = arith.constant 32 : i32
      %mul3A_57 = arith.muli %add3A_55, %mul3A_56 : i32
      %dma_wait3A_58 = arith.constant 0 : i32
      %dma_wait3A_59 = tpu.memref_slice %arg7[%mul3A_57] : memref<16384xf32, #tpu.memory_space<vmem>> -> memref<32xf32, #tpu.memory_space<vmem>>
      %dma_wait3A_60 = arith.constant 0 : i32
      %dma_wait3A_61 = tpu.memref_slice %arg3[%dma_wait3A_58, %dma_wait3A_60] : memref<251904x128xf32, #tpu.memory_space<hbm>> -> memref<1x32xf32, #tpu.memory_space<hbm>>
      %dma_wait3A_62 = tpu.memref_squeeze %dma_wait3A_61 : memref<1x32xf32, #tpu.memory_space<hbm>> -> memref<32xf32, #tpu.memory_space<hbm>>
      %dma_wait3A_63 = tpu.memref_slice %arg7[%mul3A_57] : memref<16384xf32, #tpu.memory_space<vmem>> -> memref<32xf32, #tpu.memory_space<vmem>>
      %dma_wait3A_64 = arith.constant 0 : i32
      %dma_wait3A_65 = tpu.memref_slice %arg3[%dma_wait3A_58, %dma_wait3A_64] : memref<251904x128xf32, #tpu.memory_space<hbm>> -> memref<1x32xf32, #tpu.memory_space<hbm>>
      %dma_wait3A_66 = tpu.memref_squeeze %dma_wait3A_65 : memref<1x32xf32, #tpu.memory_space<hbm>> -> memref<32xf32, #tpu.memory_space<hbm>>
      tpu.wait_dma2 semaphore(%arg8 : memref<!tpu.dma_semaphore, #tpu.memory_space<semaphore_mem>>) src(%dma_wait3A_66 : memref<32xf32, #tpu.memory_space<hbm>>) dst(%dma_wait3A_63 : memref<32xf32, #tpu.memory_space<vmem>>)
      %mul3A_67 = arith.constant 16 : i32
      %mul3A_68 = arith.muli %scan3A_22, %mul3A_67 : i32
      %add3A_69 = arith.constant 3 : i32
      %add3A_70 = arith.addi %mul3A_68, %add3A_69 : i32
      %mul3A_71 = arith.constant 32 : i32
      %mul3A_72 = arith.muli %add3A_70, %mul3A_71 : i32
      %dma_wait3A_73 = arith.constant 0 : i32
      %dma_wait3A_74 = tpu.memref_slice %arg7[%mul3A_72] : memref<16384xf32, #tpu.memory_space<vmem>> -> memref<32xf32, #tpu.memory_space<vmem>>
      %dma_wait3A_75 = arith.constant 0 : i32
      %dma_wait3A_76 = tpu.memref_slice %arg3[%dma_wait3A_73, %dma_wait3A_75] : memref<251904x128xf32, #tpu.memory_space<hbm>> -> memref<1x32xf32, #tpu.memory_space<hbm>>
      %dma_wait3A_77 = tpu.memref_squeeze %dma_wait3A_76 : memref<1x32xf32, #tpu.memory_space<hbm>> -> memref<32xf32, #tpu.memory_space<hbm>>
      %dma_wait3A_78 = tpu.memref_slice %arg7[%mul3A_72] : memref<16384xf32, #tpu.memory_space<vmem>> -> memref<32xf32, #tpu.memory_space<vmem>>
      %dma_wait3A_79 = arith.constant 0 : i32
      %dma_wait3A_80 = tpu.memref_slice %arg3[%dma_wait3A_73, %dma_wait3A_79] : memref<251904x128xf32, #tpu.memory_space<hbm>> -> memref<1x32xf32, #tpu.memory_space<hbm>>
      %dma_wait3A_81 = tpu.memref_squeeze %dma_wait3A_80 : memref<1x32xf32, #tpu.memory_space<hbm>> -> memref<32xf32, #tpu.memory_space<hbm>>
      tpu.wait_dma2 semaphore(%arg8 : memref<!tpu.dma_semaphore, #tpu.memory_space<semaphore_mem>>) src(%dma_wait3A_81 : memref<32xf32, #tpu.memory_space<hbm>>) dst(%dma_wait3A_78 : memref<32xf32, #tpu.memory_space<vmem>>)
      %mul3A_82 = arith.constant 16 : i32
      %mul3A_83 = arith.muli %scan3A_22, %mul3A_82 : i32
      %add3A_84 = arith.constant 4 : i32
      %add3A_85 = arith.addi %mul3A_83, %add3A_84 : i32
      %mul3A_86 = arith.constant 32 : i32
      %mul3A_87 = arith.muli %add3A_85, %mul3A_86 : i32
      %dma_wait3A_88 = arith.constant 0 : i32
      %dma_wait3A_89 = tpu.memref_slice %arg7[%mul3A_87] : memref<16384xf32, #tpu.memory_space<vmem>> -> memref<32xf32, #tpu.memory_space<vmem>>
      %dma_wait3A_90 = arith.constant 0 : i32
      %dma_wait3A_91 = tpu.memref_slice %arg3[%dma_wait3A_88, %dma_wait3A_90] : memref<251904x128xf32, #tpu.memory_space<hbm>> -> memref<1x32xf32, #tpu.memory_space<hbm>>
      %dma_wait3A_92 = tpu.memref_squeeze %dma_wait3A_91 : memref<1x32xf32, #tpu.memory_space<hbm>> -> memref<32xf32, #tpu.memory_space<hbm>>
      %dma_wait3A_93 = tpu.memref_slice %arg7[%mul3A_87] : memref<16384xf32, #tpu.memory_space<vmem>> -> memref<32xf32, #tpu.memory_space<vmem>>
      %dma_wait3A_94 = arith.constant 0 : i32
      %dma_wait3A_95 = tpu.memref_slice %arg3[%dma_wait3A_88, %dma_wait3A_94] : memref<251904x128xf32, #tpu.memory_space<hbm>> -> memref<1x32xf32, #tpu.memory_space<hbm>>
      %dma_wait3A_96 = tpu.memref_squeeze %dma_wait3A_95 : memref<1x32xf32, #tpu.memory_space<hbm>> -> memref<32xf32, #tpu.memory_space<hbm>>
      tpu.wait_dma2 semaphore(%arg8 : memref<!tpu.dma_semaphore, #tpu.memory_space<semaphore_mem>>) src(%dma_wait3A_96 : memref<32xf32, #tpu.memory_space<hbm>>) dst(%dma_wait3A_93 : memref<32xf32, #tpu.memory_space<vmem>>)
      %mul3A_97 = arith.constant 16 : i32
      %mul3A_98 = arith.muli %scan3A_22, %mul3A_97 : i32
      %add3A_99 = arith.constant 5 : i32
      %add3A_100 = arith.addi %mul3A_98, %add3A_99 : i32
      %mul3A_101 = arith.constant 32 : i32
      %mul3A_102 = arith.muli %add3A_100, %mul3A_101 : i32
      %dma_wait3A_103 = arith.constant 0 : i32
      %dma_wait3A_104 = tpu.memref_slice %arg7[%mul3A_102] : memref<16384xf32, #tpu.memory_space<vmem>> -> memref<32xf32, #tpu.memory_space<vmem>>
      %dma_wait3A_105 = arith.constant 0 : i32
      %dma_wait3A_106 = tpu.memref_slice %arg3[%dma_wait3A_103, %dma_wait3A_105] : memref<251904x128xf32, #tpu.memory_space<hbm>> -> memref<1x32xf32, #tpu.memory_space<hbm>>
      %dma_wait3A_107 = tpu.memref_squeeze %dma_wait3A_106 : memref<1x32xf32, #tpu.memory_space<hbm>> -> memref<32xf32, #tpu.memory_space<hbm>>
      %dma_wait3A_108 = tpu.memref_slice %arg7[%mul3A_102] : memref<16384xf32, #tpu.memory_space<vmem>> -> memref<32xf32, #tpu.memory_space<vmem>>
      %dma_wait3A_109 = arith.constant 0 : i32
      %dma_wait3A_110 = tpu.memref_slice %arg3[%dma_wait3A_103, %dma_wait3A_109] : memref<251904x128xf32, #tpu.memory_space<hbm>> -> memref<1x32xf32, #tpu.memory_space<hbm>>
      %dma_wait3A_111 = tpu.memref_squeeze %dma_wait3A_110 : memref<1x32xf32, #tpu.memory_space<hbm>> -> memref<32xf32, #tpu.memory_space<hbm>>
      tpu.wait_dma2 semaphore(%arg8 : memref<!tpu.dma_semaphore, #tpu.memory_space<semaphore_mem>>) src(%dma_wait3A_111 : memref<32xf32, #tpu.memory_space<hbm>>) dst(%dma_wait3A_108 : memref<32xf32, #tpu.memory_space<vmem>>)
      %mul3A_112 = arith.constant 16 : i32
      %mul3A_113 = arith.muli %scan3A_22, %mul3A_112 : i32
      %add3A_114 = arith.constant 6 : i32
      %add3A_115 = arith.addi %mul3A_113, %add3A_114 : i32
      %mul3A_116 = arith.constant 32 : i32
      %mul3A_117 = arith.muli %add3A_115, %mul3A_116 : i32
      %dma_wait3A_118 = arith.constant 0 : i32
      %dma_wait3A_119 = tpu.memref_slice %arg7[%mul3A_117] : memref<16384xf32, #tpu.memory_space<vmem>> -> memref<32xf32, #tpu.memory_space<vmem>>
      %dma_wait3A_120 = arith.constant 0 : i32
      %dma_wait3A_121 = tpu.memref_slice %arg3[%dma_wait3A_118, %dma_wait3A_120] : memref<251904x128xf32, #tpu.memory_space<hbm>> -> memref<1x32xf32, #tpu.memory_space<hbm>>
      %dma_wait3A_122 = tpu.memref_squeeze %dma_wait3A_121 : memref<1x32xf32, #tpu.memory_space<hbm>> -> memref<32xf32, #tpu.memory_space<hbm>>
      %dma_wait3A_123 = tpu.memref_slice %arg7[%mul3A_117] : memref<16384xf32, #tpu.memory_space<vmem>> -> memref<32xf32, #tpu.memory_space<vmem>>
      %dma_wait3A_124 = arith.constant 0 : i32
      %dma_wait3A_125 = tpu.memref_slice %arg3[%dma_wait3A_118, %dma_wait3A_124] : memref<251904x128xf32, #tpu.memory_space<hbm>> -> memref<1x32xf32, #tpu.memory_space<hbm>>
      %dma_wait3A_126 = tpu.memref_squeeze %dma_wait3A_125 : memref<1x32xf32, #tpu.memory_space<hbm>> -> memref<32xf32, #tpu.memory_space<hbm>>
      tpu.wait_dma2 semaphore(%arg8 : memref<!tpu.dma_semaphore, #tpu.memory_space<semaphore_mem>>) src(%dma_wait3A_126 : memref<32xf32, #tpu.memory_space<hbm>>) dst(%dma_wait3A_123 : memref<32xf32, #tpu.memory_space<vmem>>)
      %mul3A_127 = arith.constant 16 : i32
      %mul3A_128 = arith.muli %scan3A_22, %mul3A_127 : i32
      %add3A_129 = arith.constant 7 : i32
      %add3A_130 = arith.addi %mul3A_128, %add3A_129 : i32
      %mul3A_131 = arith.constant 32 : i32
      %mul3A_132 = arith.muli %add3A_130, %mul3A_131 : i32
      %dma_wait3A_133 = arith.constant 0 : i32
      %dma_wait3A_134 = tpu.memref_slice %arg7[%mul3A_132] : memref<16384xf32, #tpu.memory_space<vmem>> -> memref<32xf32, #tpu.memory_space<vmem>>
      %dma_wait3A_135 = arith.constant 0 : i32
      %dma_wait3A_136 = tpu.memref_slice %arg3[%dma_wait3A_133, %dma_wait3A_135] : memref<251904x128xf32, #tpu.memory_space<hbm>> -> memref<1x32xf32, #tpu.memory_space<hbm>>
      %dma_wait3A_137 = tpu.memref_squeeze %dma_wait3A_136 : memref<1x32xf32, #tpu.memory_space<hbm>> -> memref<32xf32, #tpu.memory_space<hbm>>
      %dma_wait3A_138 = tpu.memref_slice %arg7[%mul3A_132] : memref<16384xf32, #tpu.memory_space<vmem>> -> memref<32xf32, #tpu.memory_space<vmem>>
      %dma_wait3A_139 = arith.constant 0 : i32
      %dma_wait3A_140 = tpu.memref_slice %arg3[%dma_wait3A_133, %dma_wait3A_139] : memref<251904x128xf32, #tpu.memory_space<hbm>> -> memref<1x32xf32, #tpu.memory_space<hbm>>
      %dma_wait3A_141 = tpu.memref_squeeze %dma_wait3A_140 : memref<1x32xf32, #tpu.memory_space<hbm>> -> memref<32xf32, #tpu.memory_space<hbm>>
      tpu.wait_dma2 semaphore(%arg8 : memref<!tpu.dma_semaphore, #tpu.memory_space<semaphore_mem>>) src(%dma_wait3A_141 : memref<32xf32, #tpu.memory_space<hbm>>) dst(%dma_wait3A_138 : memref<32xf32, #tpu.memory_space<vmem>>)
      %mul3A_142 = arith.constant 16 : i32
      %mul3A_143 = arith.muli %scan3A_22, %mul3A_142 : i32
      %add3A_144 = arith.constant 8 : i32
      %add3A_145 = arith.addi %mul3A_143, %add3A_144 : i32
      %mul3A_146 = arith.constant 32 : i32
      %mul3A_147 = arith.muli %add3A_145, %mul3A_146 : i32
      %dma_wait3A_148 = arith.constant 0 : i32
      %dma_wait3A_149 = tpu.memref_slice %arg7[%mul3A_147] : memref<16384xf32, #tpu.memory_space<vmem>> -> memref<32xf32, #tpu.memory_space<vmem>>
      %dma_wait3A_150 = arith.constant 0 : i32
      %dma_wait3A_151 = tpu.memref_slice %arg3[%dma_wait3A_148, %dma_wait3A_150] : memref<251904x128xf32, #tpu.memory_space<hbm>> -> memref<1x32xf32, #tpu.memory_space<hbm>>
      %dma_wait3A_152 = tpu.memref_squeeze %dma_wait3A_151 : memref<1x32xf32, #tpu.memory_space<hbm>> -> memref<32xf32, #tpu.memory_space<hbm>>
      %dma_wait3A_153 = tpu.memref_slice %arg7[%mul3A_147] : memref<16384xf32, #tpu.memory_space<vmem>> -> memref<32xf32, #tpu.memory_space<vmem>>
      %dma_wait3A_154 = arith.constant 0 : i32
      %dma_wait3A_155 = tpu.memref_slice %arg3[%dma_wait3A_148, %dma_wait3A_154] : memref<251904x128xf32, #tpu.memory_space<hbm>> -> memref<1x32xf32, #tpu.memory_space<hbm>>
      %dma_wait3A_156 = tpu.memref_squeeze %dma_wait3A_155 : memref<1x32xf32, #tpu.memory_space<hbm>> -> memref<32xf32, #tpu.memory_space<hbm>>
      tpu.wait_dma2 semaphore(%arg8 : memref<!tpu.dma_semaphore, #tpu.memory_space<semaphore_mem>>) src(%dma_wait3A_156 : memref<32xf32, #tpu.memory_space<hbm>>) dst(%dma_wait3A_153 : memref<32xf32, #tpu.memory_space<vmem>>)
      %mul3A_157 = arith.constant 16 : i32
      %mul3A_158 = arith.muli %scan3A_22, %mul3A_157 : i32
      %add3A_159 = arith.constant 9 : i32
      %add3A_160 = arith.addi %mul3A_158, %add3A_159 : i32
      %mul3A_161 = arith.constant 32 : i32
      %mul3A_162 = arith.muli %add3A_160, %mul3A_161 : i32
      %dma_wait3A_163 = arith.constant 0 : i32
      %dma_wait3A_164 = tpu.memref_slice %arg7[%mul3A_162] : memref<16384xf32, #tpu.memory_space<vmem>> -> memref<32xf32, #tpu.memory_space<vmem>>
      %dma_wait3A_165 = arith.constant 0 : i32
      %dma_wait3A_166 = tpu.memref_slice %arg3[%dma_wait3A_163, %dma_wait3A_165] : memref<251904x128xf32, #tpu.memory_space<hbm>> -> memref<1x32xf32, #tpu.memory_space<hbm>>
      %dma_wait3A_167 = tpu.memref_squeeze %dma_wait3A_166 : memref<1x32xf32, #tpu.memory_space<hbm>> -> memref<32xf32, #tpu.memory_space<hbm>>
      %dma_wait3A_168 = tpu.memref_slice %arg7[%mul3A_162] : memref<16384xf32, #tpu.memory_space<vmem>> -> memref<32xf32, #tpu.memory_space<vmem>>
      %dma_wait3A_169 = arith.constant 0 : i32
      %dma_wait3A_170 = tpu.memref_slice %arg3[%dma_wait3A_163, %dma_wait3A_169] : memref<251904x128xf32, #tpu.memory_space<hbm>> -> memref<1x32xf32, #tpu.memory_space<hbm>>
      %dma_wait3A_171 = tpu.memref_squeeze %dma_wait3A_170 : memref<1x32xf32, #tpu.memory_space<hbm>> -> memref<32xf32, #tpu.memory_space<hbm>>
      tpu.wait_dma2 semaphore(%arg8 : memref<!tpu.dma_semaphore, #tpu.memory_space<semaphore_mem>>) src(%dma_wait3A_171 : memref<32xf32, #tpu.memory_space<hbm>>) dst(%dma_wait3A_168 : memref<32xf32, #tpu.memory_space<vmem>>)
      %mul3A_172 = arith.constant 16 : i32
      %mul3A_173 = arith.muli %scan3A_22, %mul3A_172 : i32
      %add3A_174 = arith.constant 10 : i32
      %add3A_175 = arith.addi %mul3A_173, %add3A_174 : i32
      %mul3A_176 = arith.constant 32 : i32
      %mul3A_177 = arith.muli %add3A_175, %mul3A_176 : i32
      %dma_wait3A_178 = arith.constant 0 : i32
      %dma_wait3A_179 = tpu.memref_slice %arg7[%mul3A_177] : memref<16384xf32, #tpu.memory_space<vmem>> -> memref<32xf32, #tpu.memory_space<vmem>>
      %dma_wait3A_180 = arith.constant 0 : i32
      %dma_wait3A_181 = tpu.memref_slice %arg3[%dma_wait3A_178, %dma_wait3A_180] : memref<251904x128xf32, #tpu.memory_space<hbm>> -> memref<1x32xf32, #tpu.memory_space<hbm>>
      %dma_wait3A_182 = tpu.memref_squeeze %dma_wait3A_181 : memref<1x32xf32, #tpu.memory_space<hbm>> -> memref<32xf32, #tpu.memory_space<hbm>>
      %dma_wait3A_183 = tpu.memref_slice %arg7[%mul3A_177] : memref<16384xf32, #tpu.memory_space<vmem>> -> memref<32xf32, #tpu.memory_space<vmem>>
      %dma_wait3A_184 = arith.constant 0 : i32
      %dma_wait3A_185 = tpu.memref_slice %arg3[%dma_wait3A_178, %dma_wait3A_184] : memref<251904x128xf32, #tpu.memory_space<hbm>> -> memref<1x32xf32, #tpu.memory_space<hbm>>
      %dma_wait3A_186 = tpu.memref_squeeze %dma_wait3A_185 : memref<1x32xf32, #tpu.memory_space<hbm>> -> memref<32xf32, #tpu.memory_space<hbm>>
      tpu.wait_dma2 semaphore(%arg8 : memref<!tpu.dma_semaphore, #tpu.memory_space<semaphore_mem>>) src(%dma_wait3A_186 : memref<32xf32, #tpu.memory_space<hbm>>) dst(%dma_wait3A_183 : memref<32xf32, #tpu.memory_space<vmem>>)
      %mul3A_187 = arith.constant 16 : i32
      %mul3A_188 = arith.muli %scan3A_22, %mul3A_187 : i32
      %add3A_189 = arith.constant 11 : i32
      %add3A_190 = arith.addi %mul3A_188, %add3A_189 : i32
      %mul3A_191 = arith.constant 32 : i32
      %mul3A_192 = arith.muli %add3A_190, %mul3A_191 : i32
      %dma_wait3A_193 = arith.constant 0 : i32
      %dma_wait3A_194 = tpu.memref_slice %arg7[%mul3A_192] : memref<16384xf32, #tpu.memory_space<vmem>> -> memref<32xf32, #tpu.memory_space<vmem>>
      %dma_wait3A_195 = arith.constant 0 : i32
      %dma_wait3A_196 = tpu.memref_slice %arg3[%dma_wait3A_193, %dma_wait3A_195] : memref<251904x128xf32, #tpu.memory_space<hbm>> -> memref<1x32xf32, #tpu.memory_space<hbm>>
      %dma_wait3A_197 = tpu.memref_squeeze %dma_wait3A_196 : memref<1x32xf32, #tpu.memory_space<hbm>> -> memref<32xf32, #tpu.memory_space<hbm>>
      %dma_wait3A_198 = tpu.memref_slice %arg7[%mul3A_192] : memref<16384xf32, #tpu.memory_space<vmem>> -> memref<32xf32, #tpu.memory_space<vmem>>
      %dma_wait3A_199 = arith.constant 0 : i32
      %dma_wait3A_200 = tpu.memref_slice %arg3[%dma_wait3A_193, %dma_wait3A_199] : memref<251904x128xf32, #tpu.memory_space<hbm>> -> memref<1x32xf32, #tpu.memory_space<hbm>>
      %dma_wait3A_201 = tpu.memref_squeeze %dma_wait3A_200 : memref<1x32xf32, #tpu.memory_space<hbm>> -> memref<32xf32, #tpu.memory_space<hbm>>
      tpu.wait_dma2 semaphore(%arg8 : memref<!tpu.dma_semaphore, #tpu.memory_space<semaphore_mem>>) src(%dma_wait3A_201 : memref<32xf32, #tpu.memory_space<hbm>>) dst(%dma_wait3A_198 : memref<32xf32, #tpu.memory_space<vmem>>)
      %mul3A_202 = arith.constant 16 : i32
      %mul3A_203 = arith.muli %scan3A_22, %mul3A_202 : i32
      %add3A_204 = arith.constant 12 : i32
      %add3A_205 = arith.addi %mul3A_203, %add3A_204 : i32
      %mul3A_206 = arith.constant 32 : i32
      %mul3A_207 = arith.muli %add3A_205, %mul3A_206 : i32
      %dma_wait3A_208 = arith.constant 0 : i32
      %dma_wait3A_209 = tpu.memref_slice %arg7[%mul3A_207] : memref<16384xf32, #tpu.memory_space<vmem>> -> memref<32xf32, #tpu.memory_space<vmem>>
      %dma_wait3A_210 = arith.constant 0 : i32
      %dma_wait3A_211 = tpu.memref_slice %arg3[%dma_wait3A_208, %dma_wait3A_210] : memref<251904x128xf32, #tpu.memory_space<hbm>> -> memref<1x32xf32, #tpu.memory_space<hbm>>
      %dma_wait3A_212 = tpu.memref_squeeze %dma_wait3A_211 : memref<1x32xf32, #tpu.memory_space<hbm>> -> memref<32xf32, #tpu.memory_space<hbm>>
      %dma_wait3A_213 = tpu.memref_slice %arg7[%mul3A_207] : memref<16384xf32, #tpu.memory_space<vmem>> -> memref<32xf32, #tpu.memory_space<vmem>>
      %dma_wait3A_214 = arith.constant 0 : i32
      %dma_wait3A_215 = tpu.memref_slice %arg3[%dma_wait3A_208, %dma_wait3A_214] : memref<251904x128xf32, #tpu.memory_space<hbm>> -> memref<1x32xf32, #tpu.memory_space<hbm>>
      %dma_wait3A_216 = tpu.memref_squeeze %dma_wait3A_215 : memref<1x32xf32, #tpu.memory_space<hbm>> -> memref<32xf32, #tpu.memory_space<hbm>>
      tpu.wait_dma2 semaphore(%arg8 : memref<!tpu.dma_semaphore, #tpu.memory_space<semaphore_mem>>) src(%dma_wait3A_216 : memref<32xf32, #tpu.memory_space<hbm>>) dst(%dma_wait3A_213 : memref<32xf32, #tpu.memory_space<vmem>>)
      %mul3A_217 = arith.constant 16 : i32
      %mul3A_218 = arith.muli %scan3A_22, %mul3A_217 : i32
      %add3A_219 = arith.constant 13 : i32
      %add3A_220 = arith.addi %mul3A_218, %add3A_219 : i32
      %mul3A_221 = arith.constant 32 : i32
      %mul3A_222 = arith.muli %add3A_220, %mul3A_221 : i32
      %dma_wait3A_223 = arith.constant 0 : i32
      %dma_wait3A_224 = tpu.memref_slice %arg7[%mul3A_222] : memref<16384xf32, #tpu.memory_space<vmem>> -> memref<32xf32, #tpu.memory_space<vmem>>
      %dma_wait3A_225 = arith.constant 0 : i32
      %dma_wait3A_226 = tpu.memref_slice %arg3[%dma_wait3A_223, %dma_wait3A_225] : memref<251904x128xf32, #tpu.memory_space<hbm>> -> memref<1x32xf32, #tpu.memory_space<hbm>>
      %dma_wait3A_227 = tpu.memref_squeeze %dma_wait3A_226 : memref<1x32xf32, #tpu.memory_space<hbm>> -> memref<32xf32, #tpu.memory_space<hbm>>
      %dma_wait3A_228 = tpu.memref_slice %arg7[%mul3A_222] : memref<16384xf32, #tpu.memory_space<vmem>> -> memref<32xf32, #tpu.memory_space<vmem>>
      %dma_wait3A_229 = arith.constant 0 : i32
      %dma_wait3A_230 = tpu.memref_slice %arg3[%dma_wait3A_223, %dma_wait3A_229] : memref<251904x128xf32, #tpu.memory_space<hbm>> -> memref<1x32xf32, #tpu.memory_space<hbm>>
      %dma_wait3A_231 = tpu.memref_squeeze %dma_wait3A_230 : memref<1x32xf32, #tpu.memory_space<hbm>> -> memref<32xf32, #tpu.memory_space<hbm>>
      tpu.wait_dma2 semaphore(%arg8 : memref<!tpu.dma_semaphore, #tpu.memory_space<semaphore_mem>>) src(%dma_wait3A_231 : memref<32xf32, #tpu.memory_space<hbm>>) dst(%dma_wait3A_228 : memref<32xf32, #tpu.memory_space<vmem>>)
      %mul3A_232 = arith.constant 16 : i32
      %mul3A_233 = arith.muli %scan3A_22, %mul3A_232 : i32
      %add3A_234 = arith.constant 14 : i32
      %add3A_235 = arith.addi %mul3A_233, %add3A_234 : i32
      %mul3A_236 = arith.constant 32 : i32
      %mul3A_237 = arith.muli %add3A_235, %mul3A_236 : i32
      %dma_wait3A_238 = arith.constant 0 : i32
      %dma_wait3A_239 = tpu.memref_slice %arg7[%mul3A_237] : memref<16384xf32, #tpu.memory_space<vmem>> -> memref<32xf32, #tpu.memory_space<vmem>>
      %dma_wait3A_240 = arith.constant 0 : i32
      %dma_wait3A_241 = tpu.memref_slice %arg3[%dma_wait3A_238, %dma_wait3A_240] : memref<251904x128xf32, #tpu.memory_space<hbm>> -> memref<1x32xf32, #tpu.memory_space<hbm>>
      %dma_wait3A_242 = tpu.memref_squeeze %dma_wait3A_241 : memref<1x32xf32, #tpu.memory_space<hbm>> -> memref<32xf32, #tpu.memory_space<hbm>>
      %dma_wait3A_243 = tpu.memref_slice %arg7[%mul3A_237] : memref<16384xf32, #tpu.memory_space<vmem>> -> memref<32xf32, #tpu.memory_space<vmem>>
      %dma_wait3A_244 = arith.constant 0 : i32
      %dma_wait3A_245 = tpu.memref_slice %arg3[%dma_wait3A_238, %dma_wait3A_244] : memref<251904x128xf32, #tpu.memory_space<hbm>> -> memref<1x32xf32, #tpu.memory_space<hbm>>
      %dma_wait3A_246 = tpu.memref_squeeze %dma_wait3A_245 : memref<1x32xf32, #tpu.memory_space<hbm>> -> memref<32xf32, #tpu.memory_space<hbm>>
      tpu.wait_dma2 semaphore(%arg8 : memref<!tpu.dma_semaphore, #tpu.memory_space<semaphore_mem>>) src(%dma_wait3A_246 : memref<32xf32, #tpu.memory_space<hbm>>) dst(%dma_wait3A_243 : memref<32xf32, #tpu.memory_space<vmem>>)
      %mul3A_247 = arith.constant 16 : i32
      %mul3A_248 = arith.muli %scan3A_22, %mul3A_247 : i32
      %add3A_249 = arith.constant 15 : i32
      %add3A_250 = arith.addi %mul3A_248, %add3A_249 : i32
      %mul3A_251 = arith.constant 32 : i32
      %mul3A_252 = arith.muli %add3A_250, %mul3A_251 : i32
      %dma_wait3A_253 = arith.constant 0 : i32
      %dma_wait3A_254 = tpu.memref_slice %arg7[%mul3A_252] : memref<16384xf32, #tpu.memory_space<vmem>> -> memref<32xf32, #tpu.memory_space<vmem>>
      %dma_wait3A_255 = arith.constant 0 : i32
      %dma_wait3A_256 = tpu.memref_slice %arg3[%dma_wait3A_253, %dma_wait3A_255] : memref<251904x128xf32, #tpu.memory_space<hbm>> -> memref<1x32xf32, #tpu.memory_space<hbm>>
      %dma_wait3A_257 = tpu.memref_squeeze %dma_wait3A_256 : memref<1x32xf32, #tpu.memory_space<hbm>> -> memref<32xf32, #tpu.memory_space<hbm>>
      %dma_wait3A_258 = tpu.memref_slice %arg7[%mul3A_252] : memref<16384xf32, #tpu.memory_space<vmem>> -> memref<32xf32, #tpu.memory_space<vmem>>
      %dma_wait3A_259 = arith.constant 0 : i32
      %dma_wait3A_260 = tpu.memref_slice %arg3[%dma_wait3A_253, %dma_wait3A_259] : memref<251904x128xf32, #tpu.memory_space<hbm>> -> memref<1x32xf32, #tpu.memory_space<hbm>>
      %dma_wait3A_261 = tpu.memref_squeeze %dma_wait3A_260 : memref<1x32xf32, #tpu.memory_space<hbm>> -> memref<32xf32, #tpu.memory_space<hbm>>
      tpu.wait_dma2 semaphore(%arg8 : memref<!tpu.dma_semaphore, #tpu.memory_space<semaphore_mem>>) src(%dma_wait3A_261 : memref<32xf32, #tpu.memory_space<hbm>>) dst(%dma_wait3A_258 : memref<32xf32, #tpu.memory_space<vmem>>)
    }
    %scan3A_19 = arith.constant 32 : i32
    %mul3A_20 = arith.constant 32 : i32
    %mul3A_21 = arith.muli %mul3A_2, %mul3A_20 : i32
    "tpu.region"() ({
      %run_scoped3A = tpu.sem_alloc : memref<!tpu.dma_semaphore, #tpu.memory_space<semaphore_mem>>
      %dma_start3A = tpu.memref_slice %arg4[%mul3A_21] : memref<524288xf32, #tpu.memory_space<hbm>> -> memref<16384xf32, #tpu.memory_space<hbm>>
      %dma_start3A_22 = tpu.memref_slice %arg4[%mul3A_21] : memref<524288xf32, #tpu.memory_space<hbm>> -> memref<16384xf32, #tpu.memory_space<hbm>>
      tpu.enqueue_dma source(%arg7 : memref<16384xf32, #tpu.memory_space<vmem>>) target(%dma_start3A_22 : memref<16384xf32, #tpu.memory_space<hbm>>) target_semaphore(%run_scoped3A : memref<!tpu.dma_semaphore, #tpu.memory_space<semaphore_mem>>)
      %dma_wait3A = tpu.memref_slice %arg4[%mul3A_21] : memref<524288xf32, #tpu.memory_space<hbm>> -> memref<16384xf32, #tpu.memory_space<hbm>>
      %dma_wait3A_23 = tpu.memref_slice %arg4[%mul3A_21] : memref<524288xf32, #tpu.memory_space<hbm>> -> memref<16384xf32, #tpu.memory_space<hbm>>
      tpu.wait_dma2 semaphore(%run_scoped3A : memref<!tpu.dma_semaphore, #tpu.memory_space<semaphore_mem>>) src(%arg7 : memref<16384xf32, #tpu.memory_space<vmem>>) dst(%dma_wait3A_23 : memref<16384xf32, #tpu.memory_space<hbm>>)
      tpu.yield
    }) : () -> ()
    return
  }
}

module attributes {stable_mosaic.version = 14 : i64} {
  func.func @_ts_body(%arg0: i32, %arg1: memref<32x32xf32, #tpu.memory_space<vmem>>, %arg2: memref<1x32xf32, #tpu.memory_space<vmem>>, %arg3: memref<32x8192xf32, #tpu.memory_space<vmem>>, %arg4: memref<2048x128xf32, #tpu.memory_space<vmem>>) attributes {dimension_semantics = [#tpu.dimension_semantics<arbitrary>], iteration_bounds = array<i64: 123>, scalar_prefetch = 0 : i64, scratch_operands = 0 : i64, tpu.core_type = #tpu.core_type<tc>, window_params = [{pipeline_mode = #tpu.pipeline_mode<synchronous>, transform_indices = @transform_0, window_bounds = array<i64: 32, 32>}, {pipeline_mode = #tpu.pipeline_mode<synchronous>, transform_indices = @transform_1, window_bounds = array<i64: 1, 32>}, {transform_indices = @transform_2, window_bounds = array<i64: 32, 8192>}, {transform_indices = @transform_3, window_bounds = array<i64: 2048, 128>}]} {
    %get3A = arith.constant 0 : index
    %get3A_0 = arith.constant 0 : index
    %get3A_1 = vector.load %arg3[%get3A, %get3A_0] : memref<32x8192xf32, #tpu.memory_space<vmem>>, vector<32x2048xf32>
    %get3A_2 = arith.constant 0 : index
    %get3A_3 = arith.constant 0 : index
    %get3A_4 = vector.load %arg1[%get3A_2, %get3A_3] : memref<32x32xf32, #tpu.memory_space<vmem>>, vector<32x32xf32>
    %dot_general3A = arith.constant dense<0.000000e+00> : vector<2048x32xf32>
    %dot_general3A_5 = tpu.matmul %get3A_1, %get3A_4, %dot_general3A {dimension_numbers = #tpu.dot_dimension_numbers<[0], [1], [1], [0], [0, 1, 1, 0], [], []>, transpose_lhs_hint = false} : vector<32x2048xf32>, vector<32x32xf32>, vector<2048x32xf32> -> vector<2048x32xf32>
    %get3A_6 = arith.constant 0 : index
    %get3A_7 = arith.constant 0 : index
    %get3A_8 = vector.load %arg2[%get3A_6, %get3A_7] : memref<1x32xf32, #tpu.memory_space<vmem>>, vector<1x32xf32>
    %add3A = vector.broadcast %get3A_8 : vector<1x32xf32> to vector<2048x32xf32>
    %add3A_9 = arith.addf %dot_general3A_5, %add3A : vector<2048x32xf32>
    %swap3A = arith.constant 0 : index
    %swap3A_10 = arith.constant 0 : index
    %swap3A_11 = vector.load %arg4[%swap3A, %swap3A_10] : memref<2048x128xf32, #tpu.memory_space<vmem>>, vector<2048x32xf32>
    tpu.vector_store %arg4[%swap3A, %swap3A_10], %add3A_9 {strides = array<i32>} : memref<2048x128xf32, #tpu.memory_space<vmem>>, vector<2048x32xf32>,
    %get3A_12 = arith.constant 0 : index
    %get3A_13 = arith.constant 2048 : index
    %get3A_14 = vector.load %arg3[%get3A_12, %get3A_13] : memref<32x8192xf32, #tpu.memory_space<vmem>>, vector<32x2048xf32>
    %get3A_15 = arith.constant 0 : index
    %get3A_16 = arith.constant 0 : index
    %get3A_17 = vector.load %arg1[%get3A_15, %get3A_16] : memref<32x32xf32, #tpu.memory_space<vmem>>, vector<32x32xf32>
    %dot_general3A_18 = arith.constant dense<0.000000e+00> : vector<2048x32xf32>
    %dot_general3A_19 = tpu.matmul %get3A_14, %get3A_17, %dot_general3A_18 {dimension_numbers = #tpu.dot_dimension_numbers<[0], [1], [1], [0], [0, 1, 1, 0], [], []>, transpose_lhs_hint = false} : vector<32x2048xf32>, vector<32x32xf32>, vector<2048x32xf32> -> vector<2048x32xf32>
    %get3A_20 = arith.constant 0 : index
    %get3A_21 = arith.constant 0 : index
    %get3A_22 = vector.load %arg2[%get3A_20, %get3A_21] : memref<1x32xf32, #tpu.memory_space<vmem>>, vector<1x32xf32>
    %add3A_23 = vector.broadcast %get3A_22 : vector<1x32xf32> to vector<2048x32xf32>
    %add3A_24 = arith.addf %dot_general3A_19, %add3A_23 : vector<2048x32xf32>
    %swap3A_25 = arith.constant 0 : index
    %swap3A_26 = arith.constant 32 : index
    %swap3A_27 = vector.load %arg4[%swap3A_25, %swap3A_26] : memref<2048x128xf32, #tpu.memory_space<vmem>>, vector<2048x32xf32>
    tpu.vector_store %arg4[%swap3A_25, %swap3A_26], %add3A_24 {strides = array<i32>} : memref<2048x128xf32, #tpu.memory_space<vmem>>, vector<2048x32xf32>,
    %get3A_28 = arith.constant 0 : index
    %get3A_29 = arith.constant 4096 : index
    %get3A_30 = vector.load %arg3[%get3A_28, %get3A_29] : memref<32x8192xf32, #tpu.memory_space<vmem>>, vector<32x2048xf32>
    %get3A_31 = arith.constant 0 : index
    %get3A_32 = arith.constant 0 : index
    %get3A_33 = vector.load %arg1[%get3A_31, %get3A_32] : memref<32x32xf32, #tpu.memory_space<vmem>>, vector<32x32xf32>
    %dot_general3A_34 = arith.constant dense<0.000000e+00> : vector<2048x32xf32>
    %dot_general3A_35 = tpu.matmul %get3A_30, %get3A_33, %dot_general3A_34 {dimension_numbers = #tpu.dot_dimension_numbers<[0], [1], [1], [0], [0, 1, 1, 0], [], []>, transpose_lhs_hint = false} : vector<32x2048xf32>, vector<32x32xf32>, vector<2048x32xf32> -> vector<2048x32xf32>
    %get3A_36 = arith.constant 0 : index
    %get3A_37 = arith.constant 0 : index
    %get3A_38 = vector.load %arg2[%get3A_36, %get3A_37] : memref<1x32xf32, #tpu.memory_space<vmem>>, vector<1x32xf32>
    %add3A_39 = vector.broadcast %get3A_38 : vector<1x32xf32> to vector<2048x32xf32>
    %add3A_40 = arith.addf %dot_general3A_35, %add3A_39 : vector<2048x32xf32>
    %swap3A_41 = arith.constant 0 : index
    %swap3A_42 = arith.constant 64 : index
    %swap3A_43 = vector.load %arg4[%swap3A_41, %swap3A_42] : memref<2048x128xf32, #tpu.memory_space<vmem>>, vector<2048x32xf32>
    tpu.vector_store %arg4[%swap3A_41, %swap3A_42], %add3A_40 {strides = array<i32>} : memref<2048x128xf32, #tpu.memory_space<vmem>>, vector<2048x32xf32>,
    %get3A_44 = arith.constant 0 : index
    %get3A_45 = arith.constant 6144 : index
    %get3A_46 = vector.load %arg3[%get3A_44, %get3A_45] : memref<32x8192xf32, #tpu.memory_space<vmem>>, vector<32x2048xf32>
    %get3A_47 = arith.constant 0 : index
    %get3A_48 = arith.constant 0 : index
    %get3A_49 = vector.load %arg1[%get3A_47, %get3A_48] : memref<32x32xf32, #tpu.memory_space<vmem>>, vector<32x32xf32>
    %dot_general3A_50 = arith.constant dense<0.000000e+00> : vector<2048x32xf32>
    %dot_general3A_51 = tpu.matmul %get3A_46, %get3A_49, %dot_general3A_50 {dimension_numbers = #tpu.dot_dimension_numbers<[0], [1], [1], [0], [0, 1, 1, 0], [], []>, transpose_lhs_hint = false} : vector<32x2048xf32>, vector<32x32xf32>, vector<2048x32xf32> -> vector<2048x32xf32>
    %get3A_52 = arith.constant 0 : index
    %get3A_53 = arith.constant 0 : index
    %get3A_54 = vector.load %arg2[%get3A_52, %get3A_53] : memref<1x32xf32, #tpu.memory_space<vmem>>, vector<1x32xf32>
    %add3A_55 = vector.broadcast %get3A_54 : vector<1x32xf32> to vector<2048x32xf32>
    %add3A_56 = arith.addf %dot_general3A_51, %add3A_55 : vector<2048x32xf32>
    %swap3A_57 = arith.constant 0 : index
    %swap3A_58 = arith.constant 96 : index
    %swap3A_59 = vector.load %arg4[%swap3A_57, %swap3A_58] : memref<2048x128xf32, #tpu.memory_space<vmem>>, vector<2048x32xf32>
    tpu.vector_store %arg4[%swap3A_57, %swap3A_58], %add3A_56 {strides = array<i32>} : memref<2048x128xf32, #tpu.memory_space<vmem>>, vector<2048x32xf32>,
    return
  }
  func.func @transform_0(%arg0: i32) -> (i32, i32) {
    %c0_i32 = arith.constant 0 : i32
    %c0_i32_0 = arith.constant 0 : i32
    %c0_i32_1 = arith.constant 0 : i32
    return %c0_i32, %c0_i32_0 : i32, i32
  }
  func.func @transform_1(%arg0: i32) -> (i32, i32) {
    %c0_i32 = arith.constant 0 : i32
    %c0_i32_0 = arith.constant 0 : i32
    %c0_i32_1 = arith.constant 0 : i32
    return %c0_i32, %c0_i32_0 : i32, i32
  }
  func.func @transform_2(%arg0: i32) -> (i32, i32) {
    %c0_i32 = arith.constant 0 : i32
    %c0_i32_0 = arith.constant 0 : i32
    return %c0_i32, %arg0 : i32, i32
  }
  func.func @transform_3(%arg0: i32) -> (i32, i32) {
    %c0_i32 = arith.constant 0 : i32
    %c0_i32_0 = arith.constant 0 : i32
    return %arg0, %c0_i32 : i32, i32
  }
}

</mosaic_0001>

<sc_bundles>
// kernel: kernel.4.cloned.1.call-start
scs
__scs_entry_jumppad:
0x0: {  	(pc) =	sbr.rel $0x88, $3  }
0x1: {  	(tag) =	ssettag $0x0;
	lr =	simm.s32 $0x1  }
0x2: {  	[smem:$0x3F9D] =	sst lr;
	_ =	strace $0xD0000000  }
0x3: {  	_ = 	snop  }
0x4: {  	_ = 	snop  }
0x5: {  	_ = 	snop  }
0x6: {  	_ = 	snop  }
0x7: {  	_ = 	snop  }
__scs_overlays_trampoline_lowered:
0x8: {  	[smem:$0x3FAC] =	sst s0  }
0x9: {  	[smem:$0x3FAD] =	sst s1  }
0xa: {  	[smem:$0x3FAE] =	sst s2  }
0xb: {  	[smem:$0x3FAF] =	sst s3  }
0xc: {  	[smem:$0x3FB0] =	sst s4  }
0xd: {  	[smem:$0x3FB1] =	sst s5  }
0xe: {  	[smem:$0x3FB2] =	sst s6  }
0xf: {  	[smem:$0x3FB3] =	sst s7  }
0x10: {  	[smem:$0x3FB4] =	sst s8  }
0x11: {  	[smem:$0x3FB5] =	sst s9;
	s0 =	simm.s32 @!p0 $0x0  }
0x12: {  	s1 =	sld [smem:$0x3F9B];
	s0 =	simm.s32 @p0 $0x1  }
0x13: {  	[smem:$0x3FB6] =	sst s0;
	s0 =	simm.s32 @!p1 $0x0  }
0x14: {  	s2 =	sld [smem:$0x3F9A];
	s0 =	simm.s32 @p1 $0x1  }
0x15: {  	[smem:$0x3FB7] =	sst s0;
	s0 =	simm.s32 @!p2 $0x0  }
0x16: {  	s3 =	sld [smem:$0x3FDB];
	s0 =	simm.s32 @p2 $0x1  }
0x17: {  	s4 =	simm.s32 $0x1BF5;
	[smem:$0x3FB9] =	sst s0  }
0x18: {  	s0 =	sld [smem:$0x3F9C];
	_ =	swait.ge [sflag:s4], $0x0  }
0x19: {  	s7 =	sld [smem:$0x3F9D]  }
0x1a: {  	s8 =	sadd.s32 $0xFFFFE003, lr  }
0x1b: {  	s9 =	sadd.s32 $0xFFFFFEF7, lr;
	s5 =	simm.s32 $0xFFFFFFFF;
	p2 =	slt.u32 s8, $0xFFFFF086  }
0x1c: {  	p1 =	slt.u32 s9, $0xF7A;
	s5 =	simm.s32 @!p2 $0x0  }
0x1d: {  	s5 =	simm.s32 @p1 $0x1;
	p0 =	seq.s32 s7, s2  }
0x1e: {  	s7 =	smul.u32 @!p0 $0xF7A, s2;
	p2 =	seq.s32 @!p0 s5, $0x0  }
0x1f: {  	s9 =	smul.u32 $0xF7A, s1;
	s8 =	simm.s32 @!p0 $0x1BF5;
	p2 =	por !p2, p0  }
0x20: {  	[sflag:s8] =	ssyncset.s32 @!p0 $0xFFFFF086;
	s6 =	sadd.s32 @!p0 s3, s7;
	s7 =	simm.s32 @!p0 $0x108  }
0x21: {  	s3 =	sadd.s32 s3, s9;
	s6 =	sadd.s32 @!p0 $0x88, s6;
	s7 =	simm.s32 @p2 $0x1082  }
0x22: {  	[simem:s7], [sflag:s8] =	dma.local @!p0 [hbm:s6], $0xF7A  }
0x23: {  	s9 =	sor.u32 $0xD0000000, s2;
	s6 =	simm.s32 $0x108;
	_ =	swait.ge @!p0 [sflag:s8], $0x0  }
0x24: {  	s3 =	sadd.s32 $0x88, s3;
	s6 =	simm.s32 @!p1 $0x1082;
	[sflag:s4] =	ssyncset.s32 $0xFFFFF086  }
0x25: {  	[simem:s6], [sflag:s4] =	dma.local [hbm:s3], $0xF7A  }
0x26: {  	[smem:$0x3F9D] =	sst s1;
	(tag) =	ssettag s2;
	_ =	strace s9  }
0x27: {  	s1 =	sld [smem:$0x3FAD]  }
0x28: {  	s2 =	sld [smem:$0x3FAE]  }
0x29: {  	s4 =	sld [smem:$0x3FB0]  }
0x2a: {  	p0 =	seq.s32 s5, $0x0;
	s5 =	sld [smem:$0x3FB1]  }
0x2b: {  	s6 =	sld [smem:$0x3FB2]  }
0x2c: {  	s7 =	sld [smem:$0x3FB3]  }
0x2d: {  	s3 =	simm.s32 $0x108;
	s8 =	sld [smem:$0x3FB4]  }
0x2e: {  	s3 =	simm.s32 @!p0 $0x1082;
	s9 =	sld [smem:$0x3FB5]  }
0x2f: {  	lr =	sadd.s32 s0, s3;
	s0 =	sld [smem:$0x3FAC]  }
0x30: {  	s3 =	sld [smem:$0x3FAF]  }
0x31: {  	[smem:$0x3FB8] =	sst s10  }
0x32: {  	s10 =	sld [smem:$0x3FB6];
	_ =	sdelay $0x3  }
0x33: {  	p0 =	seq.s32 s10, $0x1;
	s10 =	sld [smem:$0x3FB8];
	_ =	sdelay $0x3  }
0x34: {  	[smem:$0x3FB8] =	sst s10  }
0x35: {  	s10 =	sld [smem:$0x3FB7];
	_ =	sdelay $0x3  }
0x36: {  	p1 =	seq.s32 s10, $0x1;
	s10 =	sld [smem:$0x3FB8];
	_ =	sdelay $0x3  }
0x37: {  	[smem:$0x3FB8] =	sst s10  }
0x38: {  	s10 =	sld [smem:$0x3FB9]  }
0x39: {  	_ = 	snop;
	(pc) =	sbr.ind lr, $3  }
0x3a: {  	_ = 	snop  }
0x3b: {  	_ = 	snop  }
0x3c: {  	p2 =	seq.s32 s10, $0x1;
	s10 =	sld [smem:$0x3FB8]  }
0x3d: {  	_ =	shalt  }
0x3e: {  	_ =	shalt  }
0x3f: {  	_ =	shalt  }
0x40: {  	_ =	shalt  }
0x41: {  	_ =	shalt  }
0x42: {  	_ =	shalt  }
0x43: {  	_ =	shalt  }
0x44: {  	_ =	shalt  }
0x45: {  	_ =	shalt  }
0x46: {  	_ =	shalt  }
0x47: {  	_ =	shalt  }
0x48: {  	_ =	shalt  }
0x49: {  	_ =	shalt  }
0x4a: {  	_ =	shalt  }
0x4b: {  	_ =	shalt  }
0x4c: {  	_ =	shalt  }
0x4d: {  	_ =	shalt  }
0x4e: {  	_ =	shalt  }
0x4f: {  	_ =	shalt  }
0x50: {  	_ =	shalt  }
0x51: {  	_ =	shalt  }
0x52: {  	_ =	shalt  }
0x53: {  	_ =	shalt  }
0x54: {  	_ =	shalt  }
0x55: {  	_ =	shalt  }
0x56: {  	_ =	shalt  }
0x57: {  	_ =	shalt  }
0x58: {  	_ =	shalt  }
0x59: {  	_ =	shalt  }
0x5a: {  	_ =	shalt  }
0x5b: {  	_ =	shalt  }
0x5c: {  	_ =	shalt  }
0x5d: {  	_ =	shalt  }
0x5e: {  	_ =	shalt  }
0x5f: {  	_ =	shalt  }
0x60: {  	_ =	shalt  }
0x61: {  	_ =	shalt  }
0x62: {  	_ =	shalt  }
0x63: {  	_ =	shalt  }
0x64: {  	_ =	shalt  }
0x65: {  	_ =	shalt  }
0x66: {  	_ =	shalt  }
0x67: {  	_ =	shalt  }
0x68: {  	_ =	shalt  }
0x69: {  	_ =	shalt  }
0x6a: {  	_ =	shalt  }
0x6b: {  	_ =	shalt  }
0x6c: {  	_ =	shalt  }
0x6d: {  	_ =	shalt  }
0x6e: {  	_ =	shalt  }
0x6f: {  	_ =	shalt  }
0x70: {  	_ =	shalt  }
0x71: {  	_ =	shalt  }
0x72: {  	_ =	shalt  }
0x73: {  	_ =	shalt  }
0x74: {  	_ =	shalt  }
0x75: {  	_ =	shalt  }
0x76: {  	_ =	shalt  }
0x77: {  	_ =	shalt  }
0x78: {  	_ =	shalt  }
0x79: {  	_ =	shalt  }
0x7a: {  	_ =	shalt  }
0x7b: {  	_ =	shalt  }
0x7c: {  	_ =	shalt  }
0x7d: {  	_ =	shalt  }
0x7e: {  	_ =	shalt  }
0x7f: {  	_ =	shalt  }
0x80: {  	_ =	shalt  }
0x81: {  	_ =	shalt  }
0x82: {  	_ =	shalt  }
0x83: {  	_ =	shalt  }
0x84: {  	_ =	shalt  }
0x85: {  	_ =	shalt  }
0x86: {  	_ =	shalt  }
0x87: {  	_ =	shalt  }
.Lfunc_end0:
.L_simem_size_0:
called_computation_lowered:
.L_overlay_start_0:
0x88: {  	s2 =	sld [smem:$0x3FD9]  }
0x89: {  	s3 =	sld [smem:$0x3FFE];
	_ =	sdelay $0x1  }
0x8a: {  	s1 =	srdreg.scid  }
0x8b: {  	s0 =	sand.u32 $0x1, s1  }
0x8c: {  	s17 =	sshll.u32 s0, $0xA;
	s2 =	sadd.s32 s3, s2  }
0x8d: {  	s2 =	sadd.s32 s2, s17  }
0x8e: {  	[smem:$0x3FC4] =	sst s2  }
0x8f: {  	_ = 	snop  }
0x90: {  	s2 =	sld [smem:$0x3FC9]  }
0x91: {  	s18 =	sld [smem:$0x3FD0];
	(tm) =	ssettm $0x1  }
0x92: {  	s4 =	sld [smem:$0x3FFB];
	_ =	sdelay $0x3  }
0x93: {  	_ =	strace s4  }
0x94: {  	s4 =	sld [smem:$0x3FFC];
	_ =	sdelay $0x3  }
0x95: {  	_ =	strace s4  }
0x96: {  	s4 =	sld [smem:$0x3FFD];
	_ =	sdelay $0x3  }
0x97: {  	_ =	strace s4  }
0x98: {  	_ =	strace $0x8FFFFFFF  }
0x99: {  	s19 =	sld [smem:$0x3FDB];
	_ =	sdelay $0x1  }
0x9a: {  	s5 =	simm.s32 $_scs_section_size  }
0x9b: {  	s6 =	simm.s32 $_size__tile_overlayer_lowered;
	s7 =	simm.s32 $_tile_overlayer_lowered  }
0x9c: {  	s22 =	simm.s32 $0x1BFF;
	s21 =	sshll.u32 s7, $0x1;
	s4 =	sadd.s32 s5, s19  }
0x9d: {  	s8 =	simm.s32 $0x0;
	s20 =	sshll.u32 s6, $0x1;
	s6 =	sadd.s32 s21, s4  }
0x9e: {  	[timem:s8], [sflag:s22] =	dma.local [hbm:s6], s20  }
0x9f: {  	_ =	swait.ge [sflag:s22], s20  }
0xa0: {  	s5 =	ssub.s32 $0x0, s20;
	[sflag:s22] =	ssyncset.done $0x0  }
0xa1: {  	[sflag:s22] =	ssyncadd.s32 s5;
	_ =	sdelay $0x1  }
0xa2: {  	s23 =	simm.s32 $0x1B8B  }
0xa3: {  	_ =	swait.ge [sflag:s23], $0x1  }
0xa4: {  	[sflag:s23] =	ssyncset.done $0x0  }
0xa5: {  	s25 =	simm.s32 $0x1B8E;
	s24 =	sld [smem:$0x3FFE];
	[sflag:s23] =	ssyncadd.s32 $0xFFFFFFFF  }
0xa6: {  	s26 =	simm.s32 $execute0_lowered;
	[smem:$0x3FD2] =	sst s25  }
0xa7: {  	s6 =	sshll.u32 s26, $0x1;
	_ =	strace $0x80000046;
	[dreg:$0x1] =	wrdreg $0xFFFFFFFF  }
0xa8: {  	s28 =	simm.s32 $_size_execute0_lowered;
	s4 =	sadd.s32 s4, s6;
	[dreg:$0x0] =	wrdreg $0x0  }
0xa9: {  	s6 =	sshll.u32 s28, $0x1;
	[dreg:$0x2] =	wrdreg s4  }
0xaa: {  	[dreg:$0x3] =	wrdreg s6  }
0xab: {  	[dreg:$0x4] =	wrdreg $0xC0  }
0xac: {  	_ =	task [dreg:s8], $0x5FFFF  }
0xad: {  	[dreg:$0x1] =	wrdreg $0xFFFFFFFF  }
0xae: {  	[dreg:$0x0] =	wrdreg $0x60  }
0xaf: {  	[dreg:$0x2] =	wrdreg s2  }
0xb0: {  	[dreg:$0x3] =	wrdreg s24  }
0xb1: {  	[dreg:$0x4] =	wrdreg s18  }
0xb2: {  	[dreg:$0x5] =	wrdreg $0x9  }
0xb3: {  	_ =	task.clear_ibuf [dreg:s8], $0x6FFFF;
	_ =	strace $0x90000046  }
0xb4: {  	s29 =	simm.s32 $0x9;
	_ =	strace $0x80000048  }
0xb5: {  	_ =	swait.ge [sflag:s29], $0x1  }
0xb6: {  	[sflag:s29] =	ssyncadd.s32 $0xFFFFFFFF  }
0xb7: {  	_ =	strace $0x90000048  }
0xb8: {  	_ =	sfence  }
0xb9: {  	s30 =	sld [smem:$0x0];
	_ =	sdelay $0x2  }
0xba: {  	s31 =	sshll.u32 s1, $0xD;
	s1 =	sshrl.u32 s1, $0x2  }
0xbb: {  	s3 =	sand.u32 $0x4000, s31;
	s1 =	sadd.s32 s1, s30  }
0xbc: {  	s0 =	sor.u32 s3, s0;
	s1 =	sshll.u32 s1, $0x11  }
0xbd: {  	s0 =	sor.u32 s1, s0  }
0xbe: {  	s0 =	sadd.s32 $0x8F2B, s0  }
0xbf: {  	[sflag:s0] =	ssyncadd.remote.s32 $0x1  }
0xc0: {  	_ =	sfence.sel $0xFFFF  }
0xc1: {  	[dreg:$0x0] =	wrdreg $0xFFFFFFFF;
	(pc) =	sbr.abs _section_cstart, $3  }
0xc2: {  	[dreg:$0x1] =	wrdreg $0xFFFFFFFF  }
0xc3: {  	_ =	task.clear_ibuf [dreg:s8], $0x2FFFF;
	_ =	strace $0x9FFFFFFF  }
0xc4: {  	(tm) =	ssettm $0x7FFFFFFF  }
0xc5: {  	_ =	shalt  }
tec
execute0_lowered:
.L_overlay_start_1:
0x0: {  	(tag) =	ssettag $0x1  }
0x1: {  	s4 =	rddreg [dreg:$0x0]  }
0x2: {  	s3 =	rddreg [dreg:$0x1]  }
0x3: {  	s5 =	rddreg [dreg:$0x2]  }
0x4: {  	s0 =	rddreg [dreg:$0x3]  }
0x5: {  	s2 =	simm.s32 $0x0;
	s6 =	srdreg.scid;
	s1 =	stileid.u32  }
0x6: {  	s10 =	simm.s32 $0x0;
	[smem:$0x7FF] =	sst s2;
	s6 =	sand.u32 $0x1, s6  }
0x7: {  	s7 =	sshll.u32 s1, $0x1;
	s3 =	sadd.s32 $0x800, s3;
	s8 =	ssub.s32 $0x2, s6  }
0x8: {  	_ =	strace $0x80000047;
	s6 =	sor.u32 s6, s7;
	s31 =	sshrl.u32 s8, $0x1  }
0x9: {  	s9 =	sshll.u32 s6, $0x6;
	s6 =	sshll.u32 s6, $0xB;
	s7 =	ssub.s32 s8, s31  }
0xa: {  	s4 =	sadd.s32 s4, s9;
	s5 =	sadd.s32 s5, s6;
	s8 =	simm.s32 $0x1  }
0xb: {  	s9 =	simm.s32 $0x400;
	s6 =	smax.u32 s7, $0x1;
	s7 =	simm.s32 $0x2  }
.LBB2_1:
0xc: {  	[tilespmem:s2], [sflag:$0x2] =	stream.linear.gather [hbm4b:s4+s2], $0x200, $0x38;
	[tilespmem:$0x4400] =	vst v63  }
0xd: {  	_ =	swait.ge [sflag:s7], $0x200  }
0xe: {  	[sflag:s7] =	ssyncset.done $0x0  }
0xf: {  	s11 =	simm.s32 $0x0;
	s12 =	simm.s32 $0x40;
	[sflag:s7] =	ssyncadd.s32 $0xFFFFFE00  }
.LBB2_2:
0x10: {  	p0 =	sne.s32 s12, $0x7C0;
	v0 =	vld [tilespmem:s11+$0x0];
	_ =	sdelay $0x3  }
.Ltmp0:
0x11: {  	(pc) =	sbr.rel @p0 .LBB2_2-.Ltmp0, $4  }
0x12: {  	v1 =	vshra.s32 v0, $0x2;
	v2 =	vshrl.u32 v0, $0x6  }
0x13: {  	v0 =	vand.u32 $0x7FF, v0;
	v1 =	vand.u32 $0xFFFFF800, v1;
	v2 =	vand.u32 $0x60, v2  }
0x14: {  	v0 =	vor.u32 v0, v1;
	[tilespmem:s11+$0x200] =	vst v2  }
0x15: {  	[tilespmem:s11+$0x0] =	vst v0;
	s11 =	sshra.s32 s12, $0x2;
	s12 =	sadd.s32 $0x40, s12  }
0x16: {  	v0 =	vld [tilespmem:s11+$0x0];
	_ =	sdelay $0x4  }
0x17: {  	v1 =	vshra.s32 v0, $0x2;
	v2 =	vshrl.u32 v0, $0x6  }
0x18: {  	v0 =	vand.u32 $0x7FF, v0;
	v1 =	vand.u32 $0xFFFFF800, v1;
	v2 =	vand.u32 $0x60, v2  }
0x19: {  	v0 =	vor.u32 v0, v1;
	[tilespmem:s11+$0x200] =	vst v2  }
0x1a: {  	s12 =	simm.s32 $0x200;
	s13 =	simm.s32 $0x0;
	[tilespmem:s11+$0x0] =	vst v0;
	s11 =	simm.s32 $0x0  }
.LBB2_4:
0x1b: {  	v0 =	vld [tilespmem:s11+$0x0]  }
0x1c: {  	v1 =	vld [tilespmem:s12+$0x0];
	_ =	sdelay $0x4  }
0x1d: {  	(v2sf) =	vpush v1, $0x0;
	v0 =	vshll.u32 v0, $0x7  }
0x1e: {  	(v2sf) =	vpush v0, $0x0;
	_ =	sdelay $0x4  }
0x1f: {  	(v2sf) =	vpush v1, $0x1  }
0x20: {  	(v2sf) =	vpush v0, $0x1;
	_ =	sdelay $0x1  }
0x21: {  	(v2sf) =	vpush v1, $0x2  }
0x22: {  	(v2sf) =	vpush v0, $0x2;
	_ =	sdelay $0x4  }
0x23: {  	s14 =	spop (v2sf)  }
0x24: {  	(v2sf) =	vpush v1, $0x3;
	s15 =	spop (v2sf)  }
0x25: {  	(v2sf) =	vpush v0, $0x3;
	s15 =	sadd.s32 s14, s15  }
0x26: {  	s14 =	sshra.s32 s13, $0x2;
	s15 =	sshrl.u32 s15, $0x3  }
0x27: {  	s16 =	sadd.s32 $0x400, s14;
	s15 =	sadd.s32 s3, s15  }
0x28: {  	[tilespmem:s16], [sflag:$0x1] =	stream.linear.gather [hbm4b:s15+s2], $0x20, $0x38;
	[tilespmem:$0x4400] =	vst v63  }
0x29: {  	s16 =	spop (v2sf)  }
0x2a: {  	(v2sf) =	vpush v1, $0x4;
	s17 =	spop (v2sf)  }
0x2b: {  	(v2sf) =	vpush v0, $0x4;
	s15 =	sadd.s32 s16, s17  }
0x2c: {  	s19 =	spop (v2sf);
	s15 =	sshrl.u32 s15, $0x3  }
0x2d: {  	s18 =	sadd.s32 $0x420, s14;
	(v2sf) =	vpush v1, $0x5;
	s20 =	spop (v2sf);
	s15 =	sadd.s32 s3, s15  }
0x2e: {  	(v2sf) =	vpush v0, $0x5;
	[tilespmem:s18], [sflag:$0x1] =	stream.linear.gather [hbm4b:s15+s2], $0x20, $0x38;
	[tilespmem:$0x4400] =	vst v63  }
0x2f: {  	s15 =	sadd.s32 s19, s20  }
0x30: {  	s15 =	sshrl.u32 s15, $0x3  }
0x31: {  	s21 =	sadd.s32 $0x440, s14;
	s15 =	sadd.s32 s3, s15  }
0x32: {  	[tilespmem:s21], [sflag:$0x1] =	stream.linear.gather [hbm4b:s15+s2], $0x20, $0x38;
	[tilespmem:$0x4400] =	vst v63  }
0x33: {  	s22 =	spop (v2sf)  }
0x34: {  	(v2sf) =	vpush v1, $0x6;
	s23 =	spop (v2sf)  }
0x35: {  	(v2sf) =	vpush v0, $0x6;
	s15 =	sadd.s32 s22, s23  }
0x36: {  	s15 =	sshrl.u32 s15, $0x3  }
0x37: {  	s24 =	sadd.s32 $0x460, s14;
	s15 =	sadd.s32 s3, s15  }
0x38: {  	[tilespmem:s24], [sflag:$0x1] =	stream.linear.gather [hbm4b:s15+s2], $0x20, $0x38;
	[tilespmem:$0x4400] =	vst v63  }
0x39: {  	s25 =	spop (v2sf)  }
0x3a: {  	(v2sf) =	vpush v1, $0x7;
	s26 =	spop (v2sf)  }
0x3b: {  	(v2sf) =	vpush v0, $0x7;
	s15 =	sadd.s32 s25, s26  }
0x3c: {  	s29 =	spop (v2sf);
	s15 =	sshrl.u32 s15, $0x3  }
0x3d: {  	s28 =	sadd.s32 $0x480, s14;
	(v2sf) =	vpush v1, $0x8;
	s30 =	spop (v2sf);
	s15 =	sadd.s32 s3, s15  }
0x3e: {  	(v2sf) =	vpush v0, $0x8;
	[tilespmem:s28], [sflag:$0x1] =	stream.linear.gather [hbm4b:s15+s2], $0x20, $0x38;
	[tilespmem:$0x4400] =	vst v63  }
0x3f: {  	s15 =	sadd.s32 s29, s30  }
0x40: {  	s15 =	sshrl.u32 s15, $0x3  }
0x41: {  	s31 =	sadd.s32 $0x4A0, s14;
	s15 =	sadd.s32 s3, s15  }
0x42: {  	[tilespmem:s31], [sflag:$0x1] =	stream.linear.gather [hbm4b:s15+s2], $0x20, $0x38;
	[tilespmem:$0x4400] =	vst v63  }
0x43: {  	s16 =	spop (v2sf)  }
0x44: {  	(v2sf) =	vpush v1, $0x9;
	s17 =	spop (v2sf)  }
0x45: {  	(v2sf) =	vpush v0, $0x9;
	s15 =	sadd.s32 s16, s17  }
0x46: {  	s15 =	sshrl.u32 s15, $0x3  }
0x47: {  	s18 =	sadd.s32 $0x4C0, s14;
	s15 =	sadd.s32 s3, s15  }
0x48: {  	[tilespmem:s18], [sflag:$0x1] =	stream.linear.gather [hbm4b:s15+s2], $0x20, $0x38;
	[tilespmem:$0x4400] =	vst v63  }
0x49: {  	s19 =	spop (v2sf)  }
0x4a: {  	(v2sf) =	vpush v1, $0xA;
	s20 =	spop (v2sf)  }
0x4b: {  	(v2sf) =	vpush v0, $0xA;
	s15 =	sadd.s32 s19, s20  }
0x4c: {  	s22 =	spop (v2sf);
	s15 =	sshrl.u32 s15, $0x3  }
0x4d: {  	s21 =	sadd.s32 $0x4E0, s14;
	(v2sf) =	vpush v1, $0xB;
	s23 =	spop (v2sf);
	s15 =	sadd.s32 s3, s15  }
0x4e: {  	(v2sf) =	vpush v0, $0xB;
	[tilespmem:s21], [sflag:$0x1] =	stream.linear.gather [hbm4b:s15+s2], $0x20, $0x38;
	[tilespmem:$0x4400] =	vst v63  }
0x4f: {  	s15 =	sadd.s32 s22, s23  }
0x50: {  	s15 =	sshrl.u32 s15, $0x3  }
0x51: {  	s24 =	sadd.s32 $0x500, s14;
	s15 =	sadd.s32 s3, s15  }
0x52: {  	[tilespmem:s24], [sflag:$0x1] =	stream.linear.gather [hbm4b:s15+s2], $0x20, $0x38;
	[tilespmem:$0x4400] =	vst v63  }
0x53: {  	s25 =	spop (v2sf)  }
0x54: {  	(v2sf) =	vpush v1, $0xC;
	s26 =	spop (v2sf)  }
0x55: {  	(v2sf) =	vpush v0, $0xC;
	s15 =	sadd.s32 s25, s26  }
0x56: {  	s15 =	sshrl.u32 s15, $0x3  }
0x57: {  	s28 =	sadd.s32 $0x520, s14;
	s15 =	sadd.s32 s3, s15  }
0x58: {  	[tilespmem:s28], [sflag:$0x1] =	stream.linear.gather [hbm4b:s15+s2], $0x20, $0x38;
	[tilespmem:$0x4400] =	vst v63  }
0x59: {  	s29 =	spop (v2sf)  }
0x5a: {  	(v2sf) =	vpush v1, $0xD;
	s30 =	spop (v2sf)  }
0x5b: {  	(v2sf) =	vpush v0, $0xD;
	s15 =	sadd.s32 s29, s30  }
0x5c: {  	s17 =	spop (v2sf);
	s15 =	sshrl.u32 s15, $0x3  }
0x5d: {  	s31 =	sadd.s32 $0x540, s14;
	(v2sf) =	vpush v1, $0xE;
	s18 =	spop (v2sf);
	s15 =	sadd.s32 s3, s15  }
0x5e: {  	(v2sf) =	vpush v0, $0xE;
	[tilespmem:s31], [sflag:$0x1] =	stream.linear.gather [hbm4b:s15+s2], $0x20, $0x38;
	[tilespmem:$0x4400] =	vst v63  }
0x5f: {  	s15 =	sadd.s32 s17, s18  }
0x60: {  	s15 =	sshrl.u32 s15, $0x3  }
0x61: {  	s19 =	sadd.s32 $0x560, s14;
	s15 =	sadd.s32 s3, s15  }
0x62: {  	[tilespmem:s19], [sflag:$0x1] =	stream.linear.gather [hbm4b:s15+s2], $0x20, $0x38;
	[tilespmem:$0x4400] =	vst v63  }
0x63: {  	s20 =	spop (v2sf)  }
0x64: {  	(v2sf) =	vpush v1, $0xF;
	s21 =	spop (v2sf)  }
0x65: {  	(v2sf) =	vpush v0, $0xF;
	s15 =	sadd.s32 s20, s21  }
0x66: {  	s15 =	sshrl.u32 s15, $0x3  }
0x67: {  	s22 =	sadd.s32 $0x580, s14;
	s15 =	sadd.s32 s3, s15  }
0x68: {  	[tilespmem:s22], [sflag:$0x1] =	stream.linear.gather [hbm4b:s15+s2], $0x20, $0x38;
	[tilespmem:$0x4400] =	vst v63  }
0x69: {  	s23 =	spop (v2sf)  }
0x6a: {  	s24 =	spop (v2sf)  }
0x6b: {  	s15 =	sadd.s32 s23, s24  }
0x6c: {  	s26 =	spop (v2sf);
	s15 =	sshrl.u32 s15, $0x3  }
0x6d: {  	s25 =	sadd.s32 $0x5A0, s14;
	s28 =	spop (v2sf);
	s15 =	sadd.s32 s3, s15  }
0x6e: {  	[tilespmem:s25], [sflag:$0x1] =	stream.linear.gather [hbm4b:s15+s2], $0x20, $0x38;
	[tilespmem:$0x4400] =	vst v63  }
0x6f: {  	s15 =	sadd.s32 s26, s28  }
0x70: {  	s15 =	sshrl.u32 s15, $0x3  }
0x71: {  	s29 =	sadd.s32 $0x5C0, s14;
	s15 =	sadd.s32 s3, s15  }
0x72: {  	[tilespmem:s29], [sflag:$0x1] =	stream.linear.gather [hbm4b:s15+s2], $0x20, $0x38;
	[tilespmem:$0x4400] =	vst v63  }
0x73: {  	p0 =	sne.s32 s13, $0xF800;
	s30 =	spop (v2sf)  }
.Ltmp1:
0x74: {  	s31 =	spop (v2sf);
	(pc) =	sbr.rel @p0 .LBB2_4-.Ltmp1, $4  }
0x75: {  	s15 =	sadd.s32 s30, s31  }
0x76: {  	s11 =	sadd.s32 $0x10, s11;
	s12 =	sadd.s32 $0x10, s12;
	s15 =	sshrl.u32 s15, $0x3  }
0x77: {  	s13 =	sadd.s32 $0x800, s13;
	s14 =	sadd.s32 $0x5E0, s14;
	s15 =	sadd.s32 s3, s15  }
0x78: {  	[tilespmem:s14], [sflag:$0x1] =	stream.linear.gather [hbm4b:s15+s2], $0x20, $0x38;
	[tilespmem:$0x4400] =	vst v63  }
0x79: {  	_ =	swait.ge [sflag:s8], $0x20  }
0x7a: {  	[sflag:s8] =	ssyncset.done $0x0  }
0x7b: {  	[sflag:s8] =	ssyncadd.s32 $0xFFFFFFE0  }
0x7c: {  	_ =	swait.ge [sflag:s8], $0x20  }
0x7d: {  	[sflag:s8] =	ssyncset.done $0x0  }
0x7e: {  	[sflag:s8] =	ssyncadd.s32 $0xFFFFFFE0  }
0x7f: {  	_ =	swait.ge [sflag:s8], $0x20  }
0x80: {  	[sflag:s8] =	ssyncset.done $0x0  }
0x81: {  	[sflag:s8] =	ssyncadd.s32 $0xFFFFFFE0  }
0x82: {  	_ =	swait.ge [sflag:s8], $0x20  }
0x83: {  	[sflag:s8] =	ssyncset.done $0x0  }
0x84: {  	[sflag:s8] =	ssyncadd.s32 $0xFFFFFFE0  }
0x85: {  	_ =	swait.ge [sflag:s8], $0x20  }
0x86: {  	[sflag:s8] =	ssyncset.done $0x0  }
0x87: {  	[sflag:s8] =	ssyncadd.s32 $0xFFFFFFE0  }
0x88: {  	_ =	swait.ge [sflag:s8], $0x20  }
0x89: {  	[sflag:s8] =	ssyncset.done $0x0  }
0x8a: {  	[sflag:s8] =	ssyncadd.s32 $0xFFFFFFE0  }
0x8b: {  	_ =	swait.ge [sflag:s8], $0x20  }
0x8c: {  	[sflag:s8] =	ssyncset.done $0x0  }
0x8d: {  	[sflag:s8] =	ssyncadd.s32 $0xFFFFFFE0  }
0x8e: {  	_ =	swait.ge [sflag:s8], $0x20  }
0x8f: {  	[sflag:s8] =	ssyncset.done $0x0  }
0x90: {  	[sflag:s8] =	ssyncadd.s32 $0xFFFFFFE0  }
0x91: {  	_ =	swait.ge [sflag:s8], $0x20  }
0x92: {  	[sflag:s8] =	ssyncset.done $0x0  }
0x93: {  	[sflag:s8] =	ssyncadd.s32 $0xFFFFFFE0  }
0x94: {  	_ =	swait.ge [sflag:s8], $0x20  }
0x95: {  	[sflag:s8] =	ssyncset.done $0x0  }
0x96: {  	[sflag:s8] =	ssyncadd.s32 $0xFFFFFFE0  }
0x97: {  	_ =	swait.ge [sflag:s8], $0x20  }
0x98: {  	[sflag:s8] =	ssyncset.done $0x0  }
0x99: {  	[sflag:s8] =	ssyncadd.s32 $0xFFFFFFE0  }
0x9a: {  	_ =	swait.ge [sflag:s8], $0x20  }
0x9b: {  	[sflag:s8] =	ssyncset.done $0x0  }
0x9c: {  	[sflag:s8] =	ssyncadd.s32 $0xFFFFFFE0  }
0x9d: {  	_ =	swait.ge [sflag:s8], $0x20  }
0x9e: {  	[sflag:s8] =	ssyncset.done $0x0  }
0x9f: {  	[sflag:s8] =	ssyncadd.s32 $0xFFFFFFE0  }
0xa0: {  	_ =	swait.ge [sflag:s8], $0x20  }
0xa1: {  	[sflag:s8] =	ssyncset.done $0x0  }
0xa2: {  	[sflag:s8] =	ssyncadd.s32 $0xFFFFFFE0  }
0xa3: {  	_ =	swait.ge [sflag:s8], $0x20  }
0xa4: {  	[sflag:s8] =	ssyncset.done $0x0  }
0xa5: {  	[sflag:s8] =	ssyncadd.s32 $0xFFFFFFE0  }
0xa6: {  	_ =	swait.ge [sflag:s8], $0x20  }
0xa7: {  	s11 =	simm.s32 $0x1F;
	[sflag:s8] =	ssyncset.done $0x0  }
.LBB2_6:
0xa8: {  	p0 =	sne.s32 s11, $0x1;
	s11 =	sadd.s32 $0xFFFFFFFF, s11;
	[sflag:s8] =	ssyncadd.s32 $0xFFFFFFE0  }
0xa9: {  	_ =	swait.ge [sflag:s8], $0x20  }
0xaa: {  	[sflag:s8] =	ssyncset.done $0x0  }
0xab: {  	[sflag:s8] =	ssyncadd.s32 $0xFFFFFFE0  }
0xac: {  	_ =	swait.ge [sflag:s8], $0x20  }
0xad: {  	[sflag:s8] =	ssyncset.done $0x0  }
0xae: {  	[sflag:s8] =	ssyncadd.s32 $0xFFFFFFE0  }
0xaf: {  	_ =	swait.ge [sflag:s8], $0x20  }
0xb0: {  	[sflag:s8] =	ssyncset.done $0x0  }
0xb1: {  	[sflag:s8] =	ssyncadd.s32 $0xFFFFFFE0  }
0xb2: {  	_ =	swait.ge [sflag:s8], $0x20  }
0xb3: {  	[sflag:s8] =	ssyncset.done $0x0  }
0xb4: {  	[sflag:s8] =	ssyncadd.s32 $0xFFFFFFE0  }
0xb5: {  	_ =	swait.ge [sflag:s8], $0x20  }
0xb6: {  	[sflag:s8] =	ssyncset.done $0x0  }
0xb7: {  	[sflag:s8] =	ssyncadd.s32 $0xFFFFFFE0  }
0xb8: {  	_ =	swait.ge [sflag:s8], $0x20  }
0xb9: {  	[sflag:s8] =	ssyncset.done $0x0  }
0xba: {  	[sflag:s8] =	ssyncadd.s32 $0xFFFFFFE0  }
0xbb: {  	_ =	swait.ge [sflag:s8], $0x20  }
0xbc: {  	[sflag:s8] =	ssyncset.done $0x0  }
0xbd: {  	[sflag:s8] =	ssyncadd.s32 $0xFFFFFFE0  }
0xbe: {  	_ =	swait.ge [sflag:s8], $0x20  }
0xbf: {  	[sflag:s8] =	ssyncset.done $0x0  }
0xc0: {  	[sflag:s8] =	ssyncadd.s32 $0xFFFFFFE0  }
0xc1: {  	_ =	swait.ge [sflag:s8], $0x20  }
0xc2: {  	[sflag:s8] =	ssyncset.done $0x0  }
0xc3: {  	[sflag:s8] =	ssyncadd.s32 $0xFFFFFFE0  }
0xc4: {  	_ =	swait.ge [sflag:s8], $0x20  }
0xc5: {  	[sflag:s8] =	ssyncset.done $0x0  }
0xc6: {  	[sflag:s8] =	ssyncadd.s32 $0xFFFFFFE0  }
0xc7: {  	_ =	swait.ge [sflag:s8], $0x20  }
0xc8: {  	[sflag:s8] =	ssyncset.done $0x0  }
0xc9: {  	[sflag:s8] =	ssyncadd.s32 $0xFFFFFFE0  }
0xca: {  	_ =	swait.ge [sflag:s8], $0x20  }
0xcb: {  	[sflag:s8] =	ssyncset.done $0x0  }
0xcc: {  	[sflag:s8] =	ssyncadd.s32 $0xFFFFFFE0  }
0xcd: {  	_ =	swait.ge [sflag:s8], $0x20  }
0xce: {  	[sflag:s8] =	ssyncset.done $0x0  }
0xcf: {  	[sflag:s8] =	ssyncadd.s32 $0xFFFFFFE0  }
0xd0: {  	_ =	swait.ge [sflag:s8], $0x20  }
0xd1: {  	[sflag:s8] =	ssyncset.done $0x0  }
0xd2: {  	[sflag:s8] =	ssyncadd.s32 $0xFFFFFFE0  }
.Ltmp2:
0xd3: {  	_ =	swait.ge [sflag:s8], $0x20;
	(pc) =	sbr.rel @p0 .LBB2_6-.Ltmp2, $4  }
0xd4: {  	[sflag:s8] =	ssyncset.done $0x0  }
0xd5: {  	[sflag:s8] =	ssyncadd.s32 $0xFFFFFFE0  }
0xd6: {  	_ =	swait.ge [sflag:s8], $0x20  }
0xd7: {  	[sflag:s8] =	ssyncset.done $0x0  }
0xd8: {  	s10 =	sadd.s32 $0x1, s10  }
0xd9: {  	p0 =	sne.s32 s10, s6  }
.Ltmp3:
0xda: {  	[sflag:s8] =	ssyncadd.s32 $0xFFFFFFE0;
	(pc) =	sbr.rel @p0 .LBB2_1-.Ltmp3, $4  }
0xdb: {  	[hbm4b:s5+s2] =	stream.linear.scatter [tilespmem:s9], [sflag:$0x2], $0x4000, $0x38;
	[tilespmem:$0x4400] =	vst v63  }
0xdc: {  	_ =	swait.ge [sflag:s7], $0x4000  }
0xdd: {  	[sflag:s7] =	ssyncset.done $0x0  }
0xde: {  	[sflag:s7] =	ssyncadd.s32 $0xFFFFC000  }
0xdf: {  	_ =	sfence.sel $0x180000  }
0xe0: {  	[bflag:$0x0] =	sbarrier.arrive $0xFFFF  }
0xe1: {  	p0 =	sne.s32 s1, $0x0;
	_ =	strace $0x90000047  }
0xe2: {  	s0 =	sadd.s32 @!p0 $0x100000, s0;
	[bflag:$0x2] =	sbarrier.arrive $0xFFFF  }
0xe3: {  	[sflag:s0] =	ssyncadd.tile.s32 @!p0 $0x1;
	_ =	shalt  }
.Lfunc_end2:
_tile_overlayer_lowered:
.L_overlay_start_2:
0xe4: {  	(tag) =	ssettag $0x2  }
0xe5: {  	s0 =	rddreg [dreg:$0x0];
	s2 =	stileid.u32  }
0xe6: {  	s1 =	rddreg [dreg:$0x1];
	p0 =	sne.s32 s2, $0x0  }
0xe7: {  	s3 =	rddreg [dreg:$0x2];
	[bflag:$0x3] =	sbarrier.arrive $0xFFFF;
	s2 =	simm.s32 @!p0 $0x1C02  }
0xe8: {  	[timem:s3], [sflag:s2] =	dma.local @!p0 [hbm:s0], s1  }
0xe9: {  	s0 =	simm.s32 @!p0 $0x2  }
0xea: {  	_ =	swait.ge @!p0 [sflag:s0], s1  }
0xeb: {  	s1 =	ssub.s32 @!p0 $0x0, s1;
	[sflag:s0] =	ssyncset.done @!p0 $0x0  }
0xec: {  	[sflag:s0] =	ssyncadd.s32 @!p0 s1  }
0xed: {  	[bflag:$0x3] =	sbarrier.arrive $0xFFFF  }
0xee: {  	_ =	shalt  }

</sc_bundles>
